<compile_context>
chip_gen: v7x
topology: tpu7x:2x2x1
jax: 0.10.2.dev20260603
libtpu: 0.0.44.dev20260713+nightly
codegen_flags: <defaults>
</compile_context>

<pallas_src>
import functools

import jax
import jax.numpy as jnp
from jax import lax
from jax.experimental import pallas as pl
from jax.experimental.pallas import tpu as pltpu
from jax.experimental.pallas import tpu_sc as plsc

_K = 16
_K2 = 32
_ROWS = 256
_N = 4096
_QPW = _N // 32


def _knn_tile(q_ref, ptT_ref, idx_ref):
    rr = q_ref.shape[1]
    n = ptT_ref.shape[2]
    x = ptT_ref[0, 0:1, :]
    y = ptT_ref[0, 1:2, :]
    z = ptT_ref[0, 2:3, :]
    qx = q_ref[0, :, 0:1]
    qy = q_ref[0, :, 1:2]
    qz = q_ref[0, :, 2:3]
    dx = x - qx
    dy = y - qy
    dz = z - qz
    d = (dx * dx + dy * dy) + dz * dz
    iota = lax.broadcasted_iota(jnp.int32, (rr, n), 1)
    lane2 = lax.broadcasted_iota(jnp.int32, (rr, _K2), 1)
    idxs = jnp.zeros((rr, _K2), jnp.int32)
    for t in range(_K2):
        j = jnp.argmin(d, axis=1, keepdims=True)
        d = jnp.where(iota == j, jnp.inf, d)
        idxs = jnp.where(lane2 == t, j, idxs)
    idx_ref[0] = idxs


def _sqrt16(v):
    bits = lax.bitcast_convert_type(v, jnp.int32)
    seed = lax.bitcast_convert_type(
        (bits >> 1) + jnp.int32(0x1FBD1DF5), jnp.float32)
    t = seed
    for _ in range(4):
        t = 0.5 * (t + v / t)
    return t


def _rerank_sc(xyzT_ref, idx_ref, out_ref, xv, yv, zv, idxv, outv):
    nc = 2
    wid = lax.axis_index("s") * nc + lax.axis_index("c")
    qbase = wid * _QPW

    pltpu.sync_copy(xyzT_ref.at[pl.ds(0, _N)], xv)
    pltpu.sync_copy(xyzT_ref.at[pl.ds(_N, _N)], yv)
    pltpu.sync_copy(xyzT_ref.at[pl.ds(2 * _N, _N)], zv)
    pltpu.sync_copy(idx_ref.at[pl.ds(qbase * _K2, _QPW * _K2)], idxv)

    inv32 = jnp.float32(1.0 / _K2)

    def body(q, carry):
        i0 = idxv[pl.ds(q * _K2, 16)]
        i1 = idxv[pl.ds(q * _K2 + 16, 16)]
        qsplat = jnp.full((16,), qbase + q, jnp.int32)
        qx = plsc.load_gather(xv, [qsplat])
        qy = plsc.load_gather(yv, [qsplat])
        qz = plsc.load_gather(zv, [qsplat])
        x0 = plsc.load_gather(xv, [i0])
        x1 = plsc.load_gather(xv, [i1])
        y0 = plsc.load_gather(yv, [i0])
        y1 = plsc.load_gather(yv, [i1])
        z0 = plsc.load_gather(zv, [i0])
        z1 = plsc.load_gather(zv, [i1])

        dx0 = x0 - qx
        dy0 = y0 - qy
        dz0 = z0 - qz
        dx1 = x1 - qx
        dy1 = y1 - qy
        dz1 = z1 - qz
        d0 = (dx0 * dx0 + dy0 * dy0) + dz0 * dz0
        d1 = (dx1 * dx1 + dy1 * dy1) + dz1 * dz1

        ione = lax.iota(jnp.int32, 16)
        mx = jnp.full((16,), jnp.sum(x0 + x1), jnp.float32) * inv32
        my = jnp.full((16,), jnp.sum(y0 + y1), jnp.float32) * inv32
        mz = jnp.full((16,), jnp.sum(z0 + z1), jnp.float32) * inv32
        ax0 = x0 - mx
        ax1 = x1 - mx
        ay0 = y0 - my
        ay1 = y1 - my
        az0 = z0 - mz
        az1 = z1 - mz
        inv31 = jnp.float32(1.0 / (_K2 - 1))
        vx = jnp.full((16,), jnp.sum(ax0 * ax0 + ax1 * ax1), jnp.float32)
        vy = jnp.full((16,), jnp.sum(ay0 * ay0 + ay1 * ay1), jnp.float32)
        vz = jnp.full((16,), jnp.sum(az0 * az0 + az1 * az1), jnp.float32)
        var3 = jnp.where(ione < 1, vx, jnp.where(ione < 2, vy, vz)) * inv31
        std3 = _sqrt16(var3) + 1e-6
        dsum = jnp.sum(jnp.where(ione < 3, std3, 0.0))
        denom = jnp.full((16,), dsum, jnp.float32) / 3.0

        sq0 = (ax0 * ax0 + ay0 * ay0) + az0 * az0
        sq1 = (ax1 * ax1 + ay1 * ay1) + az1 * az1
        wd0 = d0 * jnp.exp(-sq0 / denom)
        wd1 = d1 * jnp.exp(-sq1 / denom)

        k0, v0 = plsc.sort_key_val(wd0, i0)
        k1, v1 = plsc.sort_key_val(wd1, i1)
        rk1 = lax.rev(k1, (0,))
        rv1 = lax.rev(v1, (0,))
        take = k0 <= rk1
        lok = jnp.where(take, k0, rk1)
        lov = jnp.where(take, v0, rv1)
        _, fv = plsc.sort_key_val(lok, lov)
        outv[pl.ds(q * _K, 16)] = fv
        return carry

    lax.fori_loop(0, _QPW, body, jnp.int32(0))
    pltpu.sync_copy(outv, out_ref.at[pl.ds(qbase * _K, _QPW * _K)])


@functools.lru_cache(maxsize=1)
def _make_rerank_call():
    return functools.partial(
        pl.kernel,
        mesh=plsc.VectorSubcoreMesh(core_axis_name="c",
                                    subcore_axis_name="s"),
        compiler_params=pltpu.CompilerParams(needs_layout_passes=False),
        out_type=jax.ShapeDtypeStruct((_N * _K,), jnp.int32),
        scratch_types=[
            pltpu.VMEM((_N,), jnp.float32),
            pltpu.VMEM((_N,), jnp.float32),
            pltpu.VMEM((_N,), jnp.float32),
            pltpu.VMEM((_QPW * _K2,), jnp.int32),
            pltpu.VMEM((_QPW * _K,), jnp.int32),
        ],
    )(_rerank_sc)


def _tc_batch(xyz_b, xyzT_b):
    n = xyz_b.shape[1]
    return pl.pallas_call(
        _knn_tile,
        grid=(1, n // _ROWS),
        in_specs=[
            pl.BlockSpec((1, _ROWS, 3), lambda bb, r: (bb, r, 0)),
            pl.BlockSpec((1, 3, n), lambda bb, r: (bb, 0, 0)),
        ],
        out_specs=pl.BlockSpec((1, _ROWS, _K2), lambda bb, r: (bb, r, 0)),
        out_shape=jax.ShapeDtypeStruct((1, n, _K2), jnp.int32),
    )(xyz_b, xyzT_b)


def kernel(xyz):
    b, n, _ = xyz.shape
    xyzT = jnp.transpose(xyz, (0, 2, 1))
    rerank = _make_rerank_call()
    outs = []
    idx_all = [_tc_batch(xyz[i:i + 1], xyzT[i:i + 1]) for i in range(b)]
    for i in range(b):
        outs.append(rerank(xyzT[i].reshape(-1), idx_all[i].reshape(-1)))
    return jnp.stack(outs).reshape(b, n, _K)

# --- scband reference (transcript-rebuilt; emitter-appended) ---
"""Pipeline reference for scband-rand-lanet-11003706212678 (READ-ONLY COPY).

The authoritative reference and input builder live on the scoring server;
editing this copy changes nothing except your own understanding.
"""

import jax, jax.numpy as jnp
import numpy as np

K = 16  # init kwarg k


def _knn_point(xyz_b, q):
    # q: [3], xyz_b: [N, 3]
    diff = xyz_b - q
    dist = jnp.sum(diff * diff, axis=-1)  # [N]
    n = xyz_b.shape[0]
    k2 = min(2 * K, n)
    # torch.topk(dist, k2, largest=False) -> smallest k2 dists, ascending
    neg_vals, top_k_idx = jax.lax.top_k(-dist, k2)
    d_sel = -neg_vals  # dist[top_k_idx], ascending
    local_points = xyz_b[top_k_idx]  # [k2, 3] gather
    local_mean = jnp.mean(local_points, axis=0)
    local_std = jnp.std(local_points, axis=0, ddof=1)  # torch.std is unbiased
    weights = jnp.exp(-jnp.sum((local_points - local_mean) ** 2, axis=-1) / jnp.mean(local_std + 1e-06))
    weighted_dist = d_sel * weights
    idx_sorted = jnp.argsort(weighted_dist)
    return top_k_idx[idx_sorted[:K]]  # [K]


def setup_inputs(seed: int = 0) -> dict:
    key = jax.random.key(seed)
    xyz = jax.random.normal(key, (2, 4096, 3), dtype=jnp.float32)
    return {"xyz": xyz}


def reference(xyz):
    # KNN.forward(xyz, new_xyz=None) -> new_xyz = xyz
    per_batch = jax.vmap(lambda q, xb: _knn_point(xb, q), in_axes=(0, None))
    outs = []
    for b in range(xyz.shape[0]):
        outs.append(per_batch(xyz[b], xyz[b]))
    idx = jnp.stack(outs, axis=0)  # [B, N, K]
    return idx.astype(jnp.int32)

if __name__ == "__main__":
    import jax
    _d = setup_inputs()
    print(jax.jit(kernel)(*tuple(_d.values())))

</pallas_src>

<mosaic_0001>
#map = affine_map<(d0, d1) -> (0)>
module attributes {stable_mosaic.version = 14 : i64} {
  func.func @_rerank_sc(%arg0: i32, %arg1: i32, %arg2: memref<12288xf32, #tpu.memory_space<hbm>>, %arg3: memref<131072xi32, #tpu.memory_space<hbm>>, %arg4: memref<65536xi32, #tpu.memory_space<hbm>>, %arg5: memref<4096xf32, #tpu.memory_space<vmem>>, %arg6: memref<4096xf32, #tpu.memory_space<vmem>>, %arg7: memref<4096xf32, #tpu.memory_space<vmem>>, %arg8: memref<4096xi32, #tpu.memory_space<vmem>>, %arg9: memref<2048xi32, #tpu.memory_space<vmem>>) attributes {dimension_semantics = [#tpu.dimension_semantics<core_parallel>, #tpu.dimension_semantics<subcore_parallel>], iteration_bounds = array<i64: 2, 16>, scalar_prefetch = 0 : i64, scratch_operands = 5 : i64, tpu.core_type = #tpu.core_type<sc_vector_subcore>, window_params = [{transform_indices = #map}, {transform_indices = #map}, {transform_indices = #map}]} {
    %mul3A = arith.constant 2 : i32
    %mul3A_0 = arith.muli %arg1, %mul3A : i32
    %add3A = arith.addi %mul3A_0, %arg0 : i32
    %mul3A_1 = arith.constant 128 : i32
    %mul3A_2 = arith.muli %add3A, %mul3A_1 : i32
    "tpu.region"() ({
      %run_scoped3A = tpu.sem_alloc : memref<!tpu.dma_semaphore, #tpu.memory_space<semaphore_mem>>
      %dma_start3A = arith.constant 0 : i32
      %dma_start3A_13 = tpu.memref_slice %arg2[%dma_start3A] : memref<12288xf32, #tpu.memory_space<hbm>> -> memref<4096xf32, #tpu.memory_space<hbm>>
      %dma_start3A_14 = arith.constant 0 : i32
      %dma_start3A_15 = tpu.memref_slice %arg2[%dma_start3A_14] : memref<12288xf32, #tpu.memory_space<hbm>> -> memref<4096xf32, #tpu.memory_space<hbm>>
      tpu.enqueue_dma source(%dma_start3A_15 : memref<4096xf32, #tpu.memory_space<hbm>>) target(%arg5 : memref<4096xf32, #tpu.memory_space<vmem>>) target_semaphore(%run_scoped3A : memref<!tpu.dma_semaphore, #tpu.memory_space<semaphore_mem>>)
      %dma_wait3A = arith.constant 0 : i32
      %dma_wait3A_16 = tpu.memref_slice %arg2[%dma_wait3A] : memref<12288xf32, #tpu.memory_space<hbm>> -> memref<4096xf32, #tpu.memory_space<hbm>>
      %dma_wait3A_17 = arith.constant 0 : i32
      %dma_wait3A_18 = tpu.memref_slice %arg2[%dma_wait3A_17] : memref<12288xf32, #tpu.memory_space<hbm>> -> memref<4096xf32, #tpu.memory_space<hbm>>
      tpu.wait_dma2 semaphore(%run_scoped3A : memref<!tpu.dma_semaphore, #tpu.memory_space<semaphore_mem>>) src(%dma_wait3A_18 : memref<4096xf32, #tpu.memory_space<hbm>>) dst(%arg5 : memref<4096xf32, #tpu.memory_space<vmem>>)
      tpu.yield
    }) : () -> ()
    "tpu.region"() ({
      %run_scoped3A = tpu.sem_alloc : memref<!tpu.dma_semaphore, #tpu.memory_space<semaphore_mem>>
      %dma_start3A = arith.constant 4096 : i32
      %dma_start3A_13 = tpu.memref_slice %arg2[%dma_start3A] : memref<12288xf32, #tpu.memory_space<hbm>> -> memref<4096xf32, #tpu.memory_space<hbm>>
      %dma_start3A_14 = arith.constant 4096 : i32
      %dma_start3A_15 = tpu.memref_slice %arg2[%dma_start3A_14] : memref<12288xf32, #tpu.memory_space<hbm>> -> memref<4096xf32, #tpu.memory_space<hbm>>
      tpu.enqueue_dma source(%dma_start3A_15 : memref<4096xf32, #tpu.memory_space<hbm>>) target(%arg6 : memref<4096xf32, #tpu.memory_space<vmem>>) target_semaphore(%run_scoped3A : memref<!tpu.dma_semaphore, #tpu.memory_space<semaphore_mem>>)
      %dma_wait3A = arith.constant 4096 : i32
      %dma_wait3A_16 = tpu.memref_slice %arg2[%dma_wait3A] : memref<12288xf32, #tpu.memory_space<hbm>> -> memref<4096xf32, #tpu.memory_space<hbm>>
      %dma_wait3A_17 = arith.constant 4096 : i32
      %dma_wait3A_18 = tpu.memref_slice %arg2[%dma_wait3A_17] : memref<12288xf32, #tpu.memory_space<hbm>> -> memref<4096xf32, #tpu.memory_space<hbm>>
      tpu.wait_dma2 semaphore(%run_scoped3A : memref<!tpu.dma_semaphore, #tpu.memory_space<semaphore_mem>>) src(%dma_wait3A_18 : memref<4096xf32, #tpu.memory_space<hbm>>) dst(%arg6 : memref<4096xf32, #tpu.memory_space<vmem>>)
      tpu.yield
    }) : () -> ()
    "tpu.region"() ({
      %run_scoped3A = tpu.sem_alloc : memref<!tpu.dma_semaphore, #tpu.memory_space<semaphore_mem>>
      %dma_start3A = arith.constant 8192 : i32
      %dma_start3A_13 = tpu.memref_slice %arg2[%dma_start3A] : memref<12288xf32, #tpu.memory_space<hbm>> -> memref<4096xf32, #tpu.memory_space<hbm>>
      %dma_start3A_14 = arith.constant 8192 : i32
      %dma_start3A_15 = tpu.memref_slice %arg2[%dma_start3A_14] : memref<12288xf32, #tpu.memory_space<hbm>> -> memref<4096xf32, #tpu.memory_space<hbm>>
      tpu.enqueue_dma source(%dma_start3A_15 : memref<4096xf32, #tpu.memory_space<hbm>>) target(%arg7 : memref<4096xf32, #tpu.memory_space<vmem>>) target_semaphore(%run_scoped3A : memref<!tpu.dma_semaphore, #tpu.memory_space<semaphore_mem>>)
      %dma_wait3A = arith.constant 8192 : i32
      %dma_wait3A_16 = tpu.memref_slice %arg2[%dma_wait3A] : memref<12288xf32, #tpu.memory_space<hbm>> -> memref<4096xf32, #tpu.memory_space<hbm>>
      %dma_wait3A_17 = arith.constant 8192 : i32
      %dma_wait3A_18 = tpu.memref_slice %arg2[%dma_wait3A_17] : memref<12288xf32, #tpu.memory_space<hbm>> -> memref<4096xf32, #tpu.memory_space<hbm>>
      tpu.wait_dma2 semaphore(%run_scoped3A : memref<!tpu.dma_semaphore, #tpu.memory_space<semaphore_mem>>) src(%dma_wait3A_18 : memref<4096xf32, #tpu.memory_space<hbm>>) dst(%arg7 : memref<4096xf32, #tpu.memory_space<vmem>>)
      tpu.yield
    }) : () -> ()
    %mul3A_3 = arith.constant 32 : i32
    %mul3A_4 = arith.muli %mul3A_2, %mul3A_3 : i32
    "tpu.region"() ({
      %run_scoped3A = tpu.sem_alloc : memref<!tpu.dma_semaphore, #tpu.memory_space<semaphore_mem>>
      %dma_start3A = tpu.memref_slice %arg3[%mul3A_4] : memref<131072xi32, #tpu.memory_space<hbm>> -> memref<4096xi32, #tpu.memory_space<hbm>>
      %dma_start3A_13 = tpu.memref_slice %arg3[%mul3A_4] : memref<131072xi32, #tpu.memory_space<hbm>> -> memref<4096xi32, #tpu.memory_space<hbm>>
      tpu.enqueue_dma source(%dma_start3A_13 : memref<4096xi32, #tpu.memory_space<hbm>>) target(%arg8 : memref<4096xi32, #tpu.memory_space<vmem>>) target_semaphore(%run_scoped3A : memref<!tpu.dma_semaphore, #tpu.memory_space<semaphore_mem>>)
      %dma_wait3A = tpu.memref_slice %arg3[%mul3A_4] : memref<131072xi32, #tpu.memory_space<hbm>> -> memref<4096xi32, #tpu.memory_space<hbm>>
      %dma_wait3A_14 = tpu.memref_slice %arg3[%mul3A_4] : memref<131072xi32, #tpu.memory_space<hbm>> -> memref<4096xi32, #tpu.memory_space<hbm>>
      tpu.wait_dma2 semaphore(%run_scoped3A : memref<!tpu.dma_semaphore, #tpu.memory_space<semaphore_mem>>) src(%dma_wait3A_14 : memref<4096xi32, #tpu.memory_space<hbm>>) dst(%arg8 : memref<4096xi32, #tpu.memory_space<vmem>>)
      tpu.yield
    }) : () -> ()
    %scan3A = arith.constant 0 : i32
    %scan3A_5 = arith.constant 3.125000e-02 : f32
    %scan3A_6 = arith.constant 0 : i32
    %scan3A_7 = arith.constant 128 : i32
    %scan3A_8 = arith.addi %scan3A_6, %scan3A_7 : i32
    %scan3A_9 = arith.constant 1 : i32
    scf.for %scan3A_13 = %scan3A_6 to %scan3A_8 step %scan3A_9  : i32 {
      %mul3A_14 = arith.constant 32 : i32
      %mul3A_15 = arith.muli %scan3A_13, %mul3A_14 : i32
      %get3A = arith.index_cast %mul3A_15 : i32 to index
      %get3A_16 = tpu.vector_load %arg8[%get3A] {strides = array<i32>} : memref<4096xi32, #tpu.memory_space<vmem>>, vector<16xi32>,
      %mul3A_17 = arith.constant 32 : i32
      %mul3A_18 = arith.muli %scan3A_13, %mul3A_17 : i32
      %add3A_19 = arith.constant 16 : i32
      %add3A_20 = arith.addi %mul3A_18, %add3A_19 : i32
      %get3A_21 = arith.index_cast %add3A_20 : i32 to index
      %get3A_22 = tpu.vector_load %arg8[%get3A_21] {strides = array<i32>} : memref<4096xi32, #tpu.memory_space<vmem>>, vector<16xi32>,
      %add3A_23 = arith.addi %mul3A_2, %scan3A_13 : i32
      %broadcast_in_dim3A = vector.broadcast %add3A_23 : i32 to vector<16xi32>
      %gather3A = tpu.vector_load_idx %arg5[%broadcast_in_dim3A] : memref<4096xf32, #tpu.memory_space<vmem>>[vector<16xi32>], vector<16xf32>,
      %gather3A_24 = tpu.vector_load_idx %arg6[%broadcast_in_dim3A] : memref<4096xf32, #tpu.memory_space<vmem>>[vector<16xi32>], vector<16xf32>,
      %gather3A_25 = tpu.vector_load_idx %arg7[%broadcast_in_dim3A] : memref<4096xf32, #tpu.memory_space<vmem>>[vector<16xi32>], vector<16xf32>,
      %gather3A_26 = tpu.vector_load_idx %arg5[%get3A_16] : memref<4096xf32, #tpu.memory_space<vmem>>[vector<16xi32>], vector<16xf32>,
      %gather3A_27 = tpu.vector_load_idx %arg5[%get3A_22] : memref<4096xf32, #tpu.memory_space<vmem>>[vector<16xi32>], vector<16xf32>,
      %gather3A_28 = tpu.vector_load_idx %arg6[%get3A_16] : memref<4096xf32, #tpu.memory_space<vmem>>[vector<16xi32>], vector<16xf32>,
      %gather3A_29 = tpu.vector_load_idx %arg6[%get3A_22] : memref<4096xf32, #tpu.memory_space<vmem>>[vector<16xi32>], vector<16xf32>,
      %gather3A_30 = tpu.vector_load_idx %arg7[%get3A_16] : memref<4096xf32, #tpu.memory_space<vmem>>[vector<16xi32>], vector<16xf32>,
      %gather3A_31 = tpu.vector_load_idx %arg7[%get3A_22] : memref<4096xf32, #tpu.memory_space<vmem>>[vector<16xi32>], vector<16xf32>,
      %sub3A = arith.subf %gather3A_26, %gather3A : vector<16xf32>
      %sub3A_32 = arith.subf %gather3A_28, %gather3A_24 : vector<16xf32>
      %sub3A_33 = arith.subf %gather3A_30, %gather3A_25 : vector<16xf32>
      %sub3A_34 = arith.subf %gather3A_27, %gather3A : vector<16xf32>
      %sub3A_35 = arith.subf %gather3A_29, %gather3A_24 : vector<16xf32>
      %sub3A_36 = arith.subf %gather3A_31, %gather3A_25 : vector<16xf32>
      %mul3A_37 = arith.mulf %sub3A, %sub3A : vector<16xf32>
      %mul3A_38 = arith.mulf %sub3A_32, %sub3A_32 : vector<16xf32>
      %add3A_39 = arith.addf %mul3A_37, %mul3A_38 : vector<16xf32>
      %mul3A_40 = arith.mulf %sub3A_33, %sub3A_33 : vector<16xf32>
      %add3A_41 = arith.addf %add3A_39, %mul3A_40 : vector<16xf32>
      %mul3A_42 = arith.mulf %sub3A_34, %sub3A_34 : vector<16xf32>
      %mul3A_43 = arith.mulf %sub3A_35, %sub3A_35 : vector<16xf32>
      %add3A_44 = arith.addf %mul3A_42, %mul3A_43 : vector<16xf32>
      %mul3A_45 = arith.mulf %sub3A_36, %sub3A_36 : vector<16xf32>
      %add3A_46 = arith.addf %add3A_44, %mul3A_45 : vector<16xf32>
      %iota3A = tpu.iota {dimensions = array<i32: 0>} : vector<16xi32>
      %add3A_47 = arith.addf %gather3A_26, %gather3A_27 : vector<16xf32>
      %reduce_sum3A = arith.constant true
      %reduce_sum3A_48 = vector.broadcast %reduce_sum3A : i1 to vector<16xi1>
      %reduce_sum3A_49 = tpu.scan <sum>, %add3A_47 masked %reduce_sum3A_48 : vector<16xf32>, vector<16xi1> -> vector<16xf32>
      %reduce_sum3A_50 = vector.extract %reduce_sum3A_49[15] : f32 from vector<16xf32>
      %broadcast_in_dim3A_51 = vector.broadcast %reduce_sum3A_50 : f32 to vector<16xf32>
      %mul3A_52 = vector.broadcast %scan3A_5 : f32 to vector<16xf32>
      %mul3A_53 = arith.mulf %broadcast_in_dim3A_51, %mul3A_52 : vector<16xf32>
      %add3A_54 = arith.addf %gather3A_28, %gather3A_29 : vector<16xf32>
      %reduce_sum3A_55 = arith.constant true
      %reduce_sum3A_56 = vector.broadcast %reduce_sum3A_55 : i1 to vector<16xi1>
      %reduce_sum3A_57 = tpu.scan <sum>, %add3A_54 masked %reduce_sum3A_56 : vector<16xf32>, vector<16xi1> -> vector<16xf32>
      %reduce_sum3A_58 = vector.extract %reduce_sum3A_57[15] : f32 from vector<16xf32>
      %broadcast_in_dim3A_59 = vector.broadcast %reduce_sum3A_58 : f32 to vector<16xf32>
      %mul3A_60 = vector.broadcast %scan3A_5 : f32 to vector<16xf32>
      %mul3A_61 = arith.mulf %broadcast_in_dim3A_59, %mul3A_60 : vector<16xf32>
      %add3A_62 = arith.addf %gather3A_30, %gather3A_31 : vector<16xf32>
      %reduce_sum3A_63 = arith.constant true
      %reduce_sum3A_64 = vector.broadcast %reduce_sum3A_63 : i1 to vector<16xi1>
      %reduce_sum3A_65 = tpu.scan <sum>, %add3A_62 masked %reduce_sum3A_64 : vector<16xf32>, vector<16xi1> -> vector<16xf32>
      %reduce_sum3A_66 = vector.extract %reduce_sum3A_65[15] : f32 from vector<16xf32>
      %broadcast_in_dim3A_67 = vector.broadcast %reduce_sum3A_66 : f32 to vector<16xf32>
      %mul3A_68 = vector.broadcast %scan3A_5 : f32 to vector<16xf32>
      %mul3A_69 = arith.mulf %broadcast_in_dim3A_67, %mul3A_68 : vector<16xf32>
      %sub3A_70 = arith.subf %gather3A_26, %mul3A_53 : vector<16xf32>
      %sub3A_71 = arith.subf %gather3A_27, %mul3A_53 : vector<16xf32>
      %sub3A_72 = arith.subf %gather3A_28, %mul3A_61 : vector<16xf32>
      %sub3A_73 = arith.subf %gather3A_29, %mul3A_61 : vector<16xf32>
      %sub3A_74 = arith.subf %gather3A_30, %mul3A_69 : vector<16xf32>
      %sub3A_75 = arith.subf %gather3A_31, %mul3A_69 : vector<16xf32>
      %mul3A_76 = arith.mulf %sub3A_70, %sub3A_70 : vector<16xf32>
      %mul3A_77 = arith.mulf %sub3A_71, %sub3A_71 : vector<16xf32>
      %add3A_78 = arith.addf %mul3A_76, %mul3A_77 : vector<16xf32>
      %reduce_sum3A_79 = arith.constant true
      %reduce_sum3A_80 = vector.broadcast %reduce_sum3A_79 : i1 to vector<16xi1>
      %reduce_sum3A_81 = tpu.scan <sum>, %add3A_78 masked %reduce_sum3A_80 : vector<16xf32>, vector<16xi1> -> vector<16xf32>
      %reduce_sum3A_82 = vector.extract %reduce_sum3A_81[15] : f32 from vector<16xf32>
      %broadcast_in_dim3A_83 = vector.broadcast %reduce_sum3A_82 : f32 to vector<16xf32>
      %mul3A_84 = arith.mulf %sub3A_72, %sub3A_72 : vector<16xf32>
      %mul3A_85 = arith.mulf %sub3A_73, %sub3A_73 : vector<16xf32>
      %add3A_86 = arith.addf %mul3A_84, %mul3A_85 : vector<16xf32>
      %reduce_sum3A_87 = arith.constant true
      %reduce_sum3A_88 = vector.broadcast %reduce_sum3A_87 : i1 to vector<16xi1>
      %reduce_sum3A_89 = tpu.scan <sum>, %add3A_86 masked %reduce_sum3A_88 : vector<16xf32>, vector<16xi1> -> vector<16xf32>
      %reduce_sum3A_90 = vector.extract %reduce_sum3A_89[15] : f32 from vector<16xf32>
      %broadcast_in_dim3A_91 = vector.broadcast %reduce_sum3A_90 : f32 to vector<16xf32>
      %mul3A_92 = arith.mulf %sub3A_74, %sub3A_74 : vector<16xf32>
      %mul3A_93 = arith.mulf %sub3A_75, %sub3A_75 : vector<16xf32>
      %add3A_94 = arith.addf %mul3A_92, %mul3A_93 : vector<16xf32>
      %reduce_sum3A_95 = arith.constant true
      %reduce_sum3A_96 = vector.broadcast %reduce_sum3A_95 : i1 to vector<16xi1>
      %reduce_sum3A_97 = tpu.scan <sum>, %add3A_94 masked %reduce_sum3A_96 : vector<16xf32>, vector<16xi1> -> vector<16xf32>
      %reduce_sum3A_98 = vector.extract %reduce_sum3A_97[15] : f32 from vector<16xf32>
      %broadcast_in_dim3A_99 = vector.broadcast %reduce_sum3A_98 : f32 to vector<16xf32>
      %lt3A = arith.constant 1 : i32
      %lt3A_100 = vector.broadcast %lt3A : i32 to vector<16xi32>
      %lt3A_101 = arith.cmpi slt, %iota3A, %lt3A_100 : vector<16xi32>
      %lt3A_102 = arith.constant 2 : i32
      %lt3A_103 = vector.broadcast %lt3A_102 : i32 to vector<16xi32>
      %lt3A_104 = arith.cmpi slt, %iota3A, %lt3A_103 : vector<16xi32>
      %select_n3A = arith.select %lt3A_104, %broadcast_in_dim3A_91, %broadcast_in_dim3A_99 : vector<16xi1>, vector<16xf32>
      %select_n3A_105 = arith.select %lt3A_101, %broadcast_in_dim3A_83, %select_n3A : vector<16xi1>, vector<16xf32>
      %mul3A_106 = arith.constant 0.0322580636 : f32
      %mul3A_107 = vector.broadcast %mul3A_106 : f32 to vector<16xf32>
      %mul3A_108 = arith.mulf %select_n3A_105, %mul3A_107 : vector<16xf32>
      %bitcast_convert_type3A = tpu.bitcast %mul3A_108 : vector<16xf32> -> vector<16xi32>
      %shift_right_arithmetic3A = arith.constant 1 : i32
      %shift_right_arithmetic3A_109 = vector.broadcast %shift_right_arithmetic3A : i32 to vector<16xi32>
      %shift_right_arithmetic3A_110 = arith.shrsi %bitcast_convert_type3A, %shift_right_arithmetic3A_109 : vector<16xi32>
      %add3A_111 = arith.constant 532487669 : i32
      %add3A_112 = vector.broadcast %add3A_111 : i32 to vector<16xi32>
      %add3A_113 = arith.addi %shift_right_arithmetic3A_110, %add3A_112 : vector<16xi32>
      %bitcast_convert_type3A_114 = tpu.bitcast %add3A_113 : vector<16xi32> -> vector<16xf32>
      %div3A = arith.divf %mul3A_108, %bitcast_convert_type3A_114 : vector<16xf32>
      %add3A_115 = arith.addf %bitcast_convert_type3A_114, %div3A : vector<16xf32>
      %mul3A_116 = arith.constant 5.000000e-01 : f32
      %mul3A_117 = vector.broadcast %mul3A_116 : f32 to vector<16xf32>
      %mul3A_118 = arith.mulf %mul3A_117, %add3A_115 : vector<16xf32>
      %div3A_119 = arith.divf %mul3A_108, %mul3A_118 : vector<16xf32>
      %add3A_120 = arith.addf %mul3A_118, %div3A_119 : vector<16xf32>
      %mul3A_121 = arith.constant 5.000000e-01 : f32
      %mul3A_122 = vector.broadcast %mul3A_121 : f32 to vector<16xf32>
      %mul3A_123 = arith.mulf %mul3A_122, %add3A_120 : vector<16xf32>
      %div3A_124 = arith.divf %mul3A_108, %mul3A_123 : vector<16xf32>
      %add3A_125 = arith.addf %mul3A_123, %div3A_124 : vector<16xf32>
      %mul3A_126 = arith.constant 5.000000e-01 : f32
      %mul3A_127 = vector.broadcast %mul3A_126 : f32 to vector<16xf32>
      %mul3A_128 = arith.mulf %mul3A_127, %add3A_125 : vector<16xf32>
      %div3A_129 = arith.divf %mul3A_108, %mul3A_128 : vector<16xf32>
      %add3A_130 = arith.addf %mul3A_128, %div3A_129 : vector<16xf32>
      %mul3A_131 = arith.constant 5.000000e-01 : f32
      %mul3A_132 = vector.broadcast %mul3A_131 : f32 to vector<16xf32>
      %mul3A_133 = arith.mulf %mul3A_132, %add3A_130 : vector<16xf32>
      %add3A_134 = arith.constant 9.99999997E-7 : f32
      %add3A_135 = vector.broadcast %add3A_134 : f32 to vector<16xf32>
      %add3A_136 = arith.addf %mul3A_133, %add3A_135 : vector<16xf32>
      %lt3A_137 = arith.constant 3 : i32
      %lt3A_138 = vector.broadcast %lt3A_137 : i32 to vector<16xi32>
      %lt3A_139 = arith.cmpi slt, %iota3A, %lt3A_138 : vector<16xi32>
      %jit3A = arith.constant 0.000000e+00 : f32
      %broadcast_in_dim3A_140 = vector.broadcast %jit3A : f32 to vector<16xf32>
      %select_n3A_141 = arith.select %lt3A_139, %add3A_136, %broadcast_in_dim3A_140 : vector<16xi1>, vector<16xf32>
      %reduce_sum3A_142 = arith.constant true
      %reduce_sum3A_143 = vector.broadcast %reduce_sum3A_142 : i1 to vector<16xi1>
      %reduce_sum3A_144 = tpu.scan <sum>, %select_n3A_141 masked %reduce_sum3A_143 : vector<16xf32>, vector<16xi1> -> vector<16xf32>
      %reduce_sum3A_145 = vector.extract %reduce_sum3A_144[15] : f32 from vector<16xf32>
      %broadcast_in_dim3A_146 = vector.broadcast %reduce_sum3A_145 : f32 to vector<16xf32>
      %div3A_147 = arith.constant 3.000000e+00 : f32
      %div3A_148 = vector.broadcast %div3A_147 : f32 to vector<16xf32>
      %div3A_149 = arith.divf %broadcast_in_dim3A_146, %div3A_148 : vector<16xf32>
      %mul3A_150 = arith.mulf %sub3A_70, %sub3A_70 : vector<16xf32>
      %mul3A_151 = arith.mulf %sub3A_72, %sub3A_72 : vector<16xf32>
      %add3A_152 = arith.addf %mul3A_150, %mul3A_151 : vector<16xf32>
      %mul3A_153 = arith.mulf %sub3A_74, %sub3A_74 : vector<16xf32>
      %add3A_154 = arith.addf %add3A_152, %mul3A_153 : vector<16xf32>
      %mul3A_155 = arith.mulf %sub3A_71, %sub3A_71 : vector<16xf32>
      %mul3A_156 = arith.mulf %sub3A_73, %sub3A_73 : vector<16xf32>
      %add3A_157 = arith.addf %mul3A_155, %mul3A_156 : vector<16xf32>
      %mul3A_158 = arith.mulf %sub3A_75, %sub3A_75 : vector<16xf32>
      %add3A_159 = arith.addf %add3A_157, %mul3A_158 : vector<16xf32>
      %neg3A = arith.constant 0.000000e+00 : f32
      %neg3A_160 = vector.broadcast %neg3A : f32 to vector<16xf32>
      %neg3A_161 = arith.subf %neg3A_160, %add3A_154 : vector<16xf32>
      %div3A_162 = arith.divf %neg3A_161, %div3A_149 : vector<16xf32>
      %exp3A = math.exp %div3A_162 : vector<16xf32>
      %mul3A_163 = arith.mulf %add3A_41, %exp3A : vector<16xf32>
      %neg3A_164 = arith.constant 0.000000e+00 : f32
      %neg3A_165 = vector.broadcast %neg3A_164 : f32 to vector<16xf32>
      %neg3A_166 = arith.subf %neg3A_165, %add3A_159 : vector<16xf32>
      %div3A_167 = arith.divf %neg3A_166, %div3A_149 : vector<16xf32>
      %exp3A_168 = math.exp %div3A_167 : vector<16xf32>
      %mul3A_169 = arith.mulf %add3A_46, %exp3A_168 : vector<16xf32>
      %masked_sort3A = arith.constant dense<true> : vector<16xi1>
      %masked_sort3A_170, %masked_sort3A_171, %masked_sort3A_172 = tpu.sort %mul3A_163, %get3A_16 masked %masked_sort3A : (vector<16xf32>, vector<16xi32>, vector<16xi1>) -> (vector<16xi1>, vector<16xf32>, vector<16xi32>)
      %masked_sort3A_173 = arith.constant dense<true> : vector<16xi1>
      %masked_sort3A_174, %masked_sort3A_175, %masked_sort3A_176 = tpu.sort %mul3A_169, %get3A_22 masked %masked_sort3A_173 : (vector<16xf32>, vector<16xi32>, vector<16xi1>) -> (vector<16xi1>, vector<16xf32>, vector<16xi32>)
      %rev3A = arith.constant 15 : i32
      %rev3A_177 = vector.broadcast %rev3A : i32 to vector<16xi32>
      %rev3A_178 = tpu.iota {dimensions = array<i32: 0>} : vector<16xi32>
      %rev3A_179 = arith.subi %rev3A_177, %rev3A_178 : vector<16xi32>
      %rev3A_180 = tpu.dynamic_gather %masked_sort3A_175[%rev3A_179] in [0] : vector<16xf32>, vector<16xi32> -> vector<16xf32>
      %rev3A_181 = arith.constant 15 : i32
      %rev3A_182 = vector.broadcast %rev3A_181 : i32 to vector<16xi32>
      %rev3A_183 = tpu.iota {dimensions = array<i32: 0>} : vector<16xi32>
      %rev3A_184 = arith.subi %rev3A_182, %rev3A_183 : vector<16xi32>
      %rev3A_185 = tpu.dynamic_gather %masked_sort3A_176[%rev3A_184] in [0] : vector<16xi32>, vector<16xi32> -> vector<16xi32>
      %le3A = arith.cmpf ole, %masked_sort3A_171, %rev3A_180 : vector<16xf32>
      %select_n3A_186 = arith.select %le3A, %masked_sort3A_171, %rev3A_180 : vector<16xi1>, vector<16xf32>
      %select_n3A_187 = arith.select %le3A, %masked_sort3A_172, %rev3A_185 : vector<16xi1>, vector<16xi32>
      %masked_sort3A_188 = arith.constant dense<true> : vector<16xi1>
      %masked_sort3A_189, %masked_sort3A_190, %masked_sort3A_191 = tpu.sort %select_n3A_186, %select_n3A_187 masked %masked_sort3A_188 : (vector<16xf32>, vector<16xi32>, vector<16xi1>) -> (vector<16xi1>, vector<16xf32>, vector<16xi32>)
      %mul3A_192 = arith.constant 16 : i32
      %mul3A_193 = arith.muli %scan3A_13, %mul3A_192 : i32
      %swap3A = arith.index_cast %mul3A_193 : i32 to index
      %swap3A_194 = tpu.vector_load %arg9[%swap3A] {strides = array<i32>} : memref<2048xi32, #tpu.memory_space<vmem>>, vector<16xi32>,
      tpu.vector_store %arg9[%swap3A], %masked_sort3A_191 {strides = array<i32>} : memref<2048xi32, #tpu.memory_space<vmem>>, vector<16xi32>,
    }
    %scan3A_10 = arith.constant 128 : i32
    %mul3A_11 = arith.constant 16 : i32
    %mul3A_12 = arith.muli %mul3A_2, %mul3A_11 : i32
    "tpu.region"() ({
      %run_scoped3A = tpu.sem_alloc : memref<!tpu.dma_semaphore, #tpu.memory_space<semaphore_mem>>
      %dma_start3A = tpu.memref_slice %arg4[%mul3A_12] : memref<65536xi32, #tpu.memory_space<hbm>> -> memref<2048xi32, #tpu.memory_space<hbm>>
      %dma_start3A_13 = tpu.memref_slice %arg4[%mul3A_12] : memref<65536xi32, #tpu.memory_space<hbm>> -> memref<2048xi32, #tpu.memory_space<hbm>>
      tpu.enqueue_dma source(%arg9 : memref<2048xi32, #tpu.memory_space<vmem>>) target(%dma_start3A_13 : memref<2048xi32, #tpu.memory_space<hbm>>) target_semaphore(%run_scoped3A : memref<!tpu.dma_semaphore, #tpu.memory_space<semaphore_mem>>)
      %dma_wait3A = tpu.memref_slice %arg4[%mul3A_12] : memref<65536xi32, #tpu.memory_space<hbm>> -> memref<2048xi32, #tpu.memory_space<hbm>>
      %dma_wait3A_14 = tpu.memref_slice %arg4[%mul3A_12] : memref<65536xi32, #tpu.memory_space<hbm>> -> memref<2048xi32, #tpu.memory_space<hbm>>
      tpu.wait_dma2 semaphore(%run_scoped3A : memref<!tpu.dma_semaphore, #tpu.memory_space<semaphore_mem>>) src(%arg9 : memref<2048xi32, #tpu.memory_space<vmem>>) dst(%dma_wait3A_14 : memref<2048xi32, #tpu.memory_space<hbm>>)
      tpu.yield
    }) : () -> ()
    return
  }
}

#map = affine_map<(d0, d1) -> (0)>
module attributes {stable_mosaic.version = 14 : i64} {
  func.func @_rerank_sc(%arg0: i32, %arg1: i32, %arg2: memref<12288xf32, #tpu.memory_space<hbm>>, %arg3: memref<131072xi32, #tpu.memory_space<hbm>>, %arg4: memref<65536xi32, #tpu.memory_space<hbm>>, %arg5: memref<4096xf32, #tpu.memory_space<vmem>>, %arg6: memref<4096xf32, #tpu.memory_space<vmem>>, %arg7: memref<4096xf32, #tpu.memory_space<vmem>>, %arg8: memref<4096xi32, #tpu.memory_space<vmem>>, %arg9: memref<2048xi32, #tpu.memory_space<vmem>>) attributes {dimension_semantics = [#tpu.dimension_semantics<core_parallel>, #tpu.dimension_semantics<subcore_parallel>], iteration_bounds = array<i64: 2, 16>, scalar_prefetch = 0 : i64, scratch_operands = 5 : i64, tpu.core_type = #tpu.core_type<sc_vector_subcore>, window_params = [{transform_indices = #map}, {transform_indices = #map}, {transform_indices = #map}]} {
    %mul3A = arith.constant 2 : i32
    %mul3A_0 = arith.muli %arg1, %mul3A : i32
    %add3A = arith.addi %mul3A_0, %arg0 : i32
    %mul3A_1 = arith.constant 128 : i32
    %mul3A_2 = arith.muli %add3A, %mul3A_1 : i32
    "tpu.region"() ({
      %run_scoped3A = tpu.sem_alloc : memref<!tpu.dma_semaphore, #tpu.memory_space<semaphore_mem>>
      %dma_start3A = arith.constant 0 : i32
      %dma_start3A_13 = tpu.memref_slice %arg2[%dma_start3A] : memref<12288xf32, #tpu.memory_space<hbm>> -> memref<4096xf32, #tpu.memory_space<hbm>>
      %dma_start3A_14 = arith.constant 0 : i32
      %dma_start3A_15 = tpu.memref_slice %arg2[%dma_start3A_14] : memref<12288xf32, #tpu.memory_space<hbm>> -> memref<4096xf32, #tpu.memory_space<hbm>>
      tpu.enqueue_dma source(%dma_start3A_15 : memref<4096xf32, #tpu.memory_space<hbm>>) target(%arg5 : memref<4096xf32, #tpu.memory_space<vmem>>) target_semaphore(%run_scoped3A : memref<!tpu.dma_semaphore, #tpu.memory_space<semaphore_mem>>)
      %dma_wait3A = arith.constant 0 : i32
      %dma_wait3A_16 = tpu.memref_slice %arg2[%dma_wait3A] : memref<12288xf32, #tpu.memory_space<hbm>> -> memref<4096xf32, #tpu.memory_space<hbm>>
      %dma_wait3A_17 = arith.constant 0 : i32
      %dma_wait3A_18 = tpu.memref_slice %arg2[%dma_wait3A_17] : memref<12288xf32, #tpu.memory_space<hbm>> -> memref<4096xf32, #tpu.memory_space<hbm>>
      tpu.wait_dma2 semaphore(%run_scoped3A : memref<!tpu.dma_semaphore, #tpu.memory_space<semaphore_mem>>) src(%dma_wait3A_18 : memref<4096xf32, #tpu.memory_space<hbm>>) dst(%arg5 : memref<4096xf32, #tpu.memory_space<vmem>>)
      tpu.yield
    }) : () -> ()
    "tpu.region"() ({
      %run_scoped3A = tpu.sem_alloc : memref<!tpu.dma_semaphore, #tpu.memory_space<semaphore_mem>>
      %dma_start3A = arith.constant 4096 : i32
      %dma_start3A_13 = tpu.memref_slice %arg2[%dma_start3A] : memref<12288xf32, #tpu.memory_space<hbm>> -> memref<4096xf32, #tpu.memory_space<hbm>>
      %dma_start3A_14 = arith.constant 4096 : i32
      %dma_start3A_15 = tpu.memref_slice %arg2[%dma_start3A_14] : memref<12288xf32, #tpu.memory_space<hbm>> -> memref<4096xf32, #tpu.memory_space<hbm>>
      tpu.enqueue_dma source(%dma_start3A_15 : memref<4096xf32, #tpu.memory_space<hbm>>) target(%arg6 : memref<4096xf32, #tpu.memory_space<vmem>>) target_semaphore(%run_scoped3A : memref<!tpu.dma_semaphore, #tpu.memory_space<semaphore_mem>>)
      %dma_wait3A = arith.constant 4096 : i32
      %dma_wait3A_16 = tpu.memref_slice %arg2[%dma_wait3A] : memref<12288xf32, #tpu.memory_space<hbm>> -> memref<4096xf32, #tpu.memory_space<hbm>>
      %dma_wait3A_17 = arith.constant 4096 : i32
      %dma_wait3A_18 = tpu.memref_slice %arg2[%dma_wait3A_17] : memref<12288xf32, #tpu.memory_space<hbm>> -> memref<4096xf32, #tpu.memory_space<hbm>>
      tpu.wait_dma2 semaphore(%run_scoped3A : memref<!tpu.dma_semaphore, #tpu.memory_space<semaphore_mem>>) src(%dma_wait3A_18 : memref<4096xf32, #tpu.memory_space<hbm>>) dst(%arg6 : memref<4096xf32, #tpu.memory_space<vmem>>)
      tpu.yield
    }) : () -> ()
    "tpu.region"() ({
      %run_scoped3A = tpu.sem_alloc : memref<!tpu.dma_semaphore, #tpu.memory_space<semaphore_mem>>
      %dma_start3A = arith.constant 8192 : i32
      %dma_start3A_13 = tpu.memref_slice %arg2[%dma_start3A] : memref<12288xf32, #tpu.memory_space<hbm>> -> memref<4096xf32, #tpu.memory_space<hbm>>
      %dma_start3A_14 = arith.constant 8192 : i32
      %dma_start3A_15 = tpu.memref_slice %arg2[%dma_start3A_14] : memref<12288xf32, #tpu.memory_space<hbm>> -> memref<4096xf32, #tpu.memory_space<hbm>>
      tpu.enqueue_dma source(%dma_start3A_15 : memref<4096xf32, #tpu.memory_space<hbm>>) target(%arg7 : memref<4096xf32, #tpu.memory_space<vmem>>) target_semaphore(%run_scoped3A : memref<!tpu.dma_semaphore, #tpu.memory_space<semaphore_mem>>)
      %dma_wait3A = arith.constant 8192 : i32
      %dma_wait3A_16 = tpu.memref_slice %arg2[%dma_wait3A] : memref<12288xf32, #tpu.memory_space<hbm>> -> memref<4096xf32, #tpu.memory_space<hbm>>
      %dma_wait3A_17 = arith.constant 8192 : i32
      %dma_wait3A_18 = tpu.memref_slice %arg2[%dma_wait3A_17] : memref<12288xf32, #tpu.memory_space<hbm>> -> memref<4096xf32, #tpu.memory_space<hbm>>
      tpu.wait_dma2 semaphore(%run_scoped3A : memref<!tpu.dma_semaphore, #tpu.memory_space<semaphore_mem>>) src(%dma_wait3A_18 : memref<4096xf32, #tpu.memory_space<hbm>>) dst(%arg7 : memref<4096xf32, #tpu.memory_space<vmem>>)
      tpu.yield
    }) : () -> ()
    %mul3A_3 = arith.constant 32 : i32
    %mul3A_4 = arith.muli %mul3A_2, %mul3A_3 : i32
    "tpu.region"() ({
      %run_scoped3A = tpu.sem_alloc : memref<!tpu.dma_semaphore, #tpu.memory_space<semaphore_mem>>
      %dma_start3A = tpu.memref_slice %arg3[%mul3A_4] : memref<131072xi32, #tpu.memory_space<hbm>> -> memref<4096xi32, #tpu.memory_space<hbm>>
      %dma_start3A_13 = tpu.memref_slice %arg3[%mul3A_4] : memref<131072xi32, #tpu.memory_space<hbm>> -> memref<4096xi32, #tpu.memory_space<hbm>>
      tpu.enqueue_dma source(%dma_start3A_13 : memref<4096xi32, #tpu.memory_space<hbm>>) target(%arg8 : memref<4096xi32, #tpu.memory_space<vmem>>) target_semaphore(%run_scoped3A : memref<!tpu.dma_semaphore, #tpu.memory_space<semaphore_mem>>)
      %dma_wait3A = tpu.memref_slice %arg3[%mul3A_4] : memref<131072xi32, #tpu.memory_space<hbm>> -> memref<4096xi32, #tpu.memory_space<hbm>>
      %dma_wait3A_14 = tpu.memref_slice %arg3[%mul3A_4] : memref<131072xi32, #tpu.memory_space<hbm>> -> memref<4096xi32, #tpu.memory_space<hbm>>
      tpu.wait_dma2 semaphore(%run_scoped3A : memref<!tpu.dma_semaphore, #tpu.memory_space<semaphore_mem>>) src(%dma_wait3A_14 : memref<4096xi32, #tpu.memory_space<hbm>>) dst(%arg8 : memref<4096xi32, #tpu.memory_space<vmem>>)
      tpu.yield
    }) : () -> ()
    %scan3A = arith.constant 0 : i32
    %scan3A_5 = arith.constant 3.125000e-02 : f32
    %scan3A_6 = arith.constant 0 : i32
    %scan3A_7 = arith.constant 128 : i32
    %scan3A_8 = arith.addi %scan3A_6, %scan3A_7 : i32
    %scan3A_9 = arith.constant 1 : i32
    scf.for %scan3A_13 = %scan3A_6 to %scan3A_8 step %scan3A_9  : i32 {
      %mul3A_14 = arith.constant 32 : i32
      %mul3A_15 = arith.muli %scan3A_13, %mul3A_14 : i32
      %get3A = arith.index_cast %mul3A_15 : i32 to index
      %get3A_16 = tpu.vector_load %arg8[%get3A] {strides = array<i32>} : memref<4096xi32, #tpu.memory_space<vmem>>, vector<16xi32>,
      %mul3A_17 = arith.constant 32 : i32
      %mul3A_18 = arith.muli %scan3A_13, %mul3A_17 : i32
      %add3A_19 = arith.constant 16 : i32
      %add3A_20 = arith.addi %mul3A_18, %add3A_19 : i32
      %get3A_21 = arith.index_cast %add3A_20 : i32 to index
      %get3A_22 = tpu.vector_load %arg8[%get3A_21] {strides = array<i32>} : memref<4096xi32, #tpu.memory_space<vmem>>, vector<16xi32>,
      %add3A_23 = arith.addi %mul3A_2, %scan3A_13 : i32
      %broadcast_in_dim3A = vector.broadcast %add3A_23 : i32 to vector<16xi32>
      %gather3A = tpu.vector_load_idx %arg5[%broadcast_in_dim3A] : memref<4096xf32, #tpu.memory_space<vmem>>[vector<16xi32>], vector<16xf32>,
      %gather3A_24 = tpu.vector_load_idx %arg6[%broadcast_in_dim3A] : memref<4096xf32, #tpu.memory_space<vmem>>[vector<16xi32>], vector<16xf32>,
      %gather3A_25 = tpu.vector_load_idx %arg7[%broadcast_in_dim3A] : memref<4096xf32, #tpu.memory_space<vmem>>[vector<16xi32>], vector<16xf32>,
      %gather3A_26 = tpu.vector_load_idx %arg5[%get3A_16] : memref<4096xf32, #tpu.memory_space<vmem>>[vector<16xi32>], vector<16xf32>,
      %gather3A_27 = tpu.vector_load_idx %arg5[%get3A_22] : memref<4096xf32, #tpu.memory_space<vmem>>[vector<16xi32>], vector<16xf32>,
      %gather3A_28 = tpu.vector_load_idx %arg6[%get3A_16] : memref<4096xf32, #tpu.memory_space<vmem>>[vector<16xi32>], vector<16xf32>,
      %gather3A_29 = tpu.vector_load_idx %arg6[%get3A_22] : memref<4096xf32, #tpu.memory_space<vmem>>[vector<16xi32>], vector<16xf32>,
      %gather3A_30 = tpu.vector_load_idx %arg7[%get3A_16] : memref<4096xf32, #tpu.memory_space<vmem>>[vector<16xi32>], vector<16xf32>,
      %gather3A_31 = tpu.vector_load_idx %arg7[%get3A_22] : memref<4096xf32, #tpu.memory_space<vmem>>[vector<16xi32>], vector<16xf32>,
      %sub3A = arith.subf %gather3A_26, %gather3A : vector<16xf32>
      %sub3A_32 = arith.subf %gather3A_28, %gather3A_24 : vector<16xf32>
      %sub3A_33 = arith.subf %gather3A_30, %gather3A_25 : vector<16xf32>
      %sub3A_34 = arith.subf %gather3A_27, %gather3A : vector<16xf32>
      %sub3A_35 = arith.subf %gather3A_29, %gather3A_24 : vector<16xf32>
      %sub3A_36 = arith.subf %gather3A_31, %gather3A_25 : vector<16xf32>
      %mul3A_37 = arith.mulf %sub3A, %sub3A : vector<16xf32>
      %mul3A_38 = arith.mulf %sub3A_32, %sub3A_32 : vector<16xf32>
      %add3A_39 = arith.addf %mul3A_37, %mul3A_38 : vector<16xf32>
      %mul3A_40 = arith.mulf %sub3A_33, %sub3A_33 : vector<16xf32>
      %add3A_41 = arith.addf %add3A_39, %mul3A_40 : vector<16xf32>
      %mul3A_42 = arith.mulf %sub3A_34, %sub3A_34 : vector<16xf32>
      %mul3A_43 = arith.mulf %sub3A_35, %sub3A_35 : vector<16xf32>
      %add3A_44 = arith.addf %mul3A_42, %mul3A_43 : vector<16xf32>
      %mul3A_45 = arith.mulf %sub3A_36, %sub3A_36 : vector<16xf32>
      %add3A_46 = arith.addf %add3A_44, %mul3A_45 : vector<16xf32>
      %iota3A = tpu.iota {dimensions = array<i32: 0>} : vector<16xi32>
      %add3A_47 = arith.addf %gather3A_26, %gather3A_27 : vector<16xf32>
      %reduce_sum3A = arith.constant true
      %reduce_sum3A_48 = vector.broadcast %reduce_sum3A : i1 to vector<16xi1>
      %reduce_sum3A_49 = tpu.scan <sum>, %add3A_47 masked %reduce_sum3A_48 : vector<16xf32>, vector<16xi1> -> vector<16xf32>
      %reduce_sum3A_50 = vector.extract %reduce_sum3A_49[15] : f32 from vector<16xf32>
      %broadcast_in_dim3A_51 = vector.broadcast %reduce_sum3A_50 : f32 to vector<16xf32>
      %mul3A_52 = vector.broadcast %scan3A_5 : f32 to vector<16xf32>
      %mul3A_53 = arith.mulf %broadcast_in_dim3A_51, %mul3A_52 : vector<16xf32>
      %add3A_54 = arith.addf %gather3A_28, %gather3A_29 : vector<16xf32>
      %reduce_sum3A_55 = arith.constant true
      %reduce_sum3A_56 = vector.broadcast %reduce_sum3A_55 : i1 to vector<16xi1>
      %reduce_sum3A_57 = tpu.scan <sum>, %add3A_54 masked %reduce_sum3A_56 : vector<16xf32>, vector<16xi1> -> vector<16xf32>
      %reduce_sum3A_58 = vector.extract %reduce_sum3A_57[15] : f32 from vector<16xf32>
      %broadcast_in_dim3A_59 = vector.broadcast %reduce_sum3A_58 : f32 to vector<16xf32>
      %mul3A_60 = vector.broadcast %scan3A_5 : f32 to vector<16xf32>
      %mul3A_61 = arith.mulf %broadcast_in_dim3A_59, %mul3A_60 : vector<16xf32>
      %add3A_62 = arith.addf %gather3A_30, %gather3A_31 : vector<16xf32>
      %reduce_sum3A_63 = arith.constant true
      %reduce_sum3A_64 = vector.broadcast %reduce_sum3A_63 : i1 to vector<16xi1>
      %reduce_sum3A_65 = tpu.scan <sum>, %add3A_62 masked %reduce_sum3A_64 : vector<16xf32>, vector<16xi1> -> vector<16xf32>
      %reduce_sum3A_66 = vector.extract %reduce_sum3A_65[15] : f32 from vector<16xf32>
      %broadcast_in_dim3A_67 = vector.broadcast %reduce_sum3A_66 : f32 to vector<16xf32>
      %mul3A_68 = vector.broadcast %scan3A_5 : f32 to vector<16xf32>
      %mul3A_69 = arith.mulf %broadcast_in_dim3A_67, %mul3A_68 : vector<16xf32>
      %sub3A_70 = arith.subf %gather3A_26, %mul3A_53 : vector<16xf32>
      %sub3A_71 = arith.subf %gather3A_27, %mul3A_53 : vector<16xf32>
      %sub3A_72 = arith.subf %gather3A_28, %mul3A_61 : vector<16xf32>
      %sub3A_73 = arith.subf %gather3A_29, %mul3A_61 : vector<16xf32>
      %sub3A_74 = arith.subf %gather3A_30, %mul3A_69 : vector<16xf32>
      %sub3A_75 = arith.subf %gather3A_31, %mul3A_69 : vector<16xf32>
      %mul3A_76 = arith.mulf %sub3A_70, %sub3A_70 : vector<16xf32>
      %mul3A_77 = arith.mulf %sub3A_71, %sub3A_71 : vector<16xf32>
      %add3A_78 = arith.addf %mul3A_76, %mul3A_77 : vector<16xf32>
      %reduce_sum3A_79 = arith.constant true
      %reduce_sum3A_80 = vector.broadcast %reduce_sum3A_79 : i1 to vector<16xi1>
      %reduce_sum3A_81 = tpu.scan <sum>, %add3A_78 masked %reduce_sum3A_80 : vector<16xf32>, vector<16xi1> -> vector<16xf32>
      %reduce_sum3A_82 = vector.extract %reduce_sum3A_81[15] : f32 from vector<16xf32>
      %broadcast_in_dim3A_83 = vector.broadcast %reduce_sum3A_82 : f32 to vector<16xf32>
      %mul3A_84 = arith.mulf %sub3A_72, %sub3A_72 : vector<16xf32>
      %mul3A_85 = arith.mulf %sub3A_73, %sub3A_73 : vector<16xf32>
      %add3A_86 = arith.addf %mul3A_84, %mul3A_85 : vector<16xf32>
      %reduce_sum3A_87 = arith.constant true
      %reduce_sum3A_88 = vector.broadcast %reduce_sum3A_87 : i1 to vector<16xi1>
      %reduce_sum3A_89 = tpu.scan <sum>, %add3A_86 masked %reduce_sum3A_88 : vector<16xf32>, vector<16xi1> -> vector<16xf32>
      %reduce_sum3A_90 = vector.extract %reduce_sum3A_89[15] : f32 from vector<16xf32>
      %broadcast_in_dim3A_91 = vector.broadcast %reduce_sum3A_90 : f32 to vector<16xf32>
      %mul3A_92 = arith.mulf %sub3A_74, %sub3A_74 : vector<16xf32>
      %mul3A_93 = arith.mulf %sub3A_75, %sub3A_75 : vector<16xf32>
      %add3A_94 = arith.addf %mul3A_92, %mul3A_93 : vector<16xf32>
      %reduce_sum3A_95 = arith.constant true
      %reduce_sum3A_96 = vector.broadcast %reduce_sum3A_95 : i1 to vector<16xi1>
      %reduce_sum3A_97 = tpu.scan <sum>, %add3A_94 masked %reduce_sum3A_96 : vector<16xf32>, vector<16xi1> -> vector<16xf32>
      %reduce_sum3A_98 = vector.extract %reduce_sum3A_97[15] : f32 from vector<16xf32>
      %broadcast_in_dim3A_99 = vector.broadcast %reduce_sum3A_98 : f32 to vector<16xf32>
      %lt3A = arith.constant 1 : i32
      %lt3A_100 = vector.broadcast %lt3A : i32 to vector<16xi32>
      %lt3A_101 = arith.cmpi slt, %iota3A, %lt3A_100 : vector<16xi32>
      %lt3A_102 = arith.constant 2 : i32
      %lt3A_103 = vector.broadcast %lt3A_102 : i32 to vector<16xi32>
      %lt3A_104 = arith.cmpi slt, %iota3A, %lt3A_103 : vector<16xi32>
      %select_n3A = arith.select %lt3A_104, %broadcast_in_dim3A_91, %broadcast_in_dim3A_99 : vector<16xi1>, vector<16xf32>
      %select_n3A_105 = arith.select %lt3A_101, %broadcast_in_dim3A_83, %select_n3A : vector<16xi1>, vector<16xf32>
      %mul3A_106 = arith.constant 0.0322580636 : f32
      %mul3A_107 = vector.broadcast %mul3A_106 : f32 to vector<16xf32>
      %mul3A_108 = arith.mulf %select_n3A_105, %mul3A_107 : vector<16xf32>
      %bitcast_convert_type3A = tpu.bitcast %mul3A_108 : vector<16xf32> -> vector<16xi32>
      %shift_right_arithmetic3A = arith.constant 1 : i32
      %shift_right_arithmetic3A_109 = vector.broadcast %shift_right_arithmetic3A : i32 to vector<16xi32>
      %shift_right_arithmetic3A_110 = arith.shrsi %bitcast_convert_type3A, %shift_right_arithmetic3A_109 : vector<16xi32>
      %add3A_111 = arith.constant 532487669 : i32
      %add3A_112 = vector.broadcast %add3A_111 : i32 to vector<16xi32>
      %add3A_113 = arith.addi %shift_right_arithmetic3A_110, %add3A_112 : vector<16xi32>
      %bitcast_convert_type3A_114 = tpu.bitcast %add3A_113 : vector<16xi32> -> vector<16xf32>
      %div3A = arith.divf %mul3A_108, %bitcast_convert_type3A_114 : vector<16xf32>
      %add3A_115 = arith.addf %bitcast_convert_type3A_114, %div3A : vector<16xf32>
      %mul3A_116 = arith.constant 5.000000e-01 : f32
      %mul3A_117 = vector.broadcast %mul3A_116 : f32 to vector<16xf32>
      %mul3A_118 = arith.mulf %mul3A_117, %add3A_115 : vector<16xf32>
      %div3A_119 = arith.divf %mul3A_108, %mul3A_118 : vector<16xf32>
      %add3A_120 = arith.addf %mul3A_118, %div3A_119 : vector<16xf32>
      %mul3A_121 = arith.constant 5.000000e-01 : f32
      %mul3A_122 = vector.broadcast %mul3A_121 : f32 to vector<16xf32>
      %mul3A_123 = arith.mulf %mul3A_122, %add3A_120 : vector<16xf32>
      %div3A_124 = arith.divf %mul3A_108, %mul3A_123 : vector<16xf32>
      %add3A_125 = arith.addf %mul3A_123, %div3A_124 : vector<16xf32>
      %mul3A_126 = arith.constant 5.000000e-01 : f32
      %mul3A_127 = vector.broadcast %mul3A_126 : f32 to vector<16xf32>
      %mul3A_128 = arith.mulf %mul3A_127, %add3A_125 : vector<16xf32>
      %div3A_129 = arith.divf %mul3A_108, %mul3A_128 : vector<16xf32>
      %add3A_130 = arith.addf %mul3A_128, %div3A_129 : vector<16xf32>
      %mul3A_131 = arith.constant 5.000000e-01 : f32
      %mul3A_132 = vector.broadcast %mul3A_131 : f32 to vector<16xf32>
      %mul3A_133 = arith.mulf %mul3A_132, %add3A_130 : vector<16xf32>
      %add3A_134 = arith.constant 9.99999997E-7 : f32
      %add3A_135 = vector.broadcast %add3A_134 : f32 to vector<16xf32>
      %add3A_136 = arith.addf %mul3A_133, %add3A_135 : vector<16xf32>
      %lt3A_137 = arith.constant 3 : i32
      %lt3A_138 = vector.broadcast %lt3A_137 : i32 to vector<16xi32>
      %lt3A_139 = arith.cmpi slt, %iota3A, %lt3A_138 : vector<16xi32>
      %jit3A = arith.constant 0.000000e+00 : f32
      %broadcast_in_dim3A_140 = vector.broadcast %jit3A : f32 to vector<16xf32>
      %select_n3A_141 = arith.select %lt3A_139, %add3A_136, %broadcast_in_dim3A_140 : vector<16xi1>, vector<16xf32>
      %reduce_sum3A_142 = arith.constant true
      %reduce_sum3A_143 = vector.broadcast %reduce_sum3A_142 : i1 to vector<16xi1>
      %reduce_sum3A_144 = tpu.scan <sum>, %select_n3A_141 masked %reduce_sum3A_143 : vector<16xf32>, vector<16xi1> -> vector<16xf32>
      %reduce_sum3A_145 = vector.extract %reduce_sum3A_144[15] : f32 from vector<16xf32>
      %broadcast_in_dim3A_146 = vector.broadcast %reduce_sum3A_145 : f32 to vector<16xf32>
      %div3A_147 = arith.constant 3.000000e+00 : f32
      %div3A_148 = vector.broadcast %div3A_147 : f32 to vector<16xf32>
      %div3A_149 = arith.divf %broadcast_in_dim3A_146, %div3A_148 : vector<16xf32>
      %mul3A_150 = arith.mulf %sub3A_70, %sub3A_70 : vector<16xf32>
      %mul3A_151 = arith.mulf %sub3A_72, %sub3A_72 : vector<16xf32>
      %add3A_152 = arith.addf %mul3A_150, %mul3A_151 : vector<16xf32>
      %mul3A_153 = arith.mulf %sub3A_74, %sub3A_74 : vector<16xf32>
      %add3A_154 = arith.addf %add3A_152, %mul3A_153 : vector<16xf32>
      %mul3A_155 = arith.mulf %sub3A_71, %sub3A_71 : vector<16xf32>
      %mul3A_156 = arith.mulf %sub3A_73, %sub3A_73 : vector<16xf32>
      %add3A_157 = arith.addf %mul3A_155, %mul3A_156 : vector<16xf32>
      %mul3A_158 = arith.mulf %sub3A_75, %sub3A_75 : vector<16xf32>
      %add3A_159 = arith.addf %add3A_157, %mul3A_158 : vector<16xf32>
      %neg3A = arith.constant 0.000000e+00 : f32
      %neg3A_160 = vector.broadcast %neg3A : f32 to vector<16xf32>
      %neg3A_161 = arith.subf %neg3A_160, %add3A_154 : vector<16xf32>
      %div3A_162 = arith.divf %neg3A_161, %div3A_149 : vector<16xf32>
      %exp3A = math.exp %div3A_162 : vector<16xf32>
      %mul3A_163 = arith.mulf %add3A_41, %exp3A : vector<16xf32>
      %neg3A_164 = arith.constant 0.000000e+00 : f32
      %neg3A_165 = vector.broadcast %neg3A_164 : f32 to vector<16xf32>
      %neg3A_166 = arith.subf %neg3A_165, %add3A_159 : vector<16xf32>
      %div3A_167 = arith.divf %neg3A_166, %div3A_149 : vector<16xf32>
      %exp3A_168 = math.exp %div3A_167 : vector<16xf32>
      %mul3A_169 = arith.mulf %add3A_46, %exp3A_168 : vector<16xf32>
      %masked_sort3A = arith.constant dense<true> : vector<16xi1>
      %masked_sort3A_170, %masked_sort3A_171, %masked_sort3A_172 = tpu.sort %mul3A_163, %get3A_16 masked %masked_sort3A : (vector<16xf32>, vector<16xi32>, vector<16xi1>) -> (vector<16xi1>, vector<16xf32>, vector<16xi32>)
      %masked_sort3A_173 = arith.constant dense<true> : vector<16xi1>
      %masked_sort3A_174, %masked_sort3A_175, %masked_sort3A_176 = tpu.sort %mul3A_169, %get3A_22 masked %masked_sort3A_173 : (vector<16xf32>, vector<16xi32>, vector<16xi1>) -> (vector<16xi1>, vector<16xf32>, vector<16xi32>)
      %rev3A = arith.constant 15 : i32
      %rev3A_177 = vector.broadcast %rev3A : i32 to vector<16xi32>
      %rev3A_178 = tpu.iota {dimensions = array<i32: 0>} : vector<16xi32>
      %rev3A_179 = arith.subi %rev3A_177, %rev3A_178 : vector<16xi32>
      %rev3A_180 = tpu.dynamic_gather %masked_sort3A_175[%rev3A_179] in [0] : vector<16xf32>, vector<16xi32> -> vector<16xf32>
      %rev3A_181 = arith.constant 15 : i32
      %rev3A_182 = vector.broadcast %rev3A_181 : i32 to vector<16xi32>
      %rev3A_183 = tpu.iota {dimensions = array<i32: 0>} : vector<16xi32>
      %rev3A_184 = arith.subi %rev3A_182, %rev3A_183 : vector<16xi32>
      %rev3A_185 = tpu.dynamic_gather %masked_sort3A_176[%rev3A_184] in [0] : vector<16xi32>, vector<16xi32> -> vector<16xi32>
      %le3A = arith.cmpf ole, %masked_sort3A_171, %rev3A_180 : vector<16xf32>
      %select_n3A_186 = arith.select %le3A, %masked_sort3A_171, %rev3A_180 : vector<16xi1>, vector<16xf32>
      %select_n3A_187 = arith.select %le3A, %masked_sort3A_172, %rev3A_185 : vector<16xi1>, vector<16xi32>
      %masked_sort3A_188 = arith.constant dense<true> : vector<16xi1>
      %masked_sort3A_189, %masked_sort3A_190, %masked_sort3A_191 = tpu.sort %select_n3A_186, %select_n3A_187 masked %masked_sort3A_188 : (vector<16xf32>, vector<16xi32>, vector<16xi1>) -> (vector<16xi1>, vector<16xf32>, vector<16xi32>)
      %mul3A_192 = arith.constant 16 : i32
      %mul3A_193 = arith.muli %scan3A_13, %mul3A_192 : i32
      %swap3A = arith.index_cast %mul3A_193 : i32 to index
      %swap3A_194 = tpu.vector_load %arg9[%swap3A] {strides = array<i32>} : memref<2048xi32, #tpu.memory_space<vmem>>, vector<16xi32>,
      tpu.vector_store %arg9[%swap3A], %masked_sort3A_191 {strides = array<i32>} : memref<2048xi32, #tpu.memory_space<vmem>>, vector<16xi32>,
    }
    %scan3A_10 = arith.constant 128 : i32
    %mul3A_11 = arith.constant 16 : i32
    %mul3A_12 = arith.muli %mul3A_2, %mul3A_11 : i32
    "tpu.region"() ({
      %run_scoped3A = tpu.sem_alloc : memref<!tpu.dma_semaphore, #tpu.memory_space<semaphore_mem>>
      %dma_start3A = tpu.memref_slice %arg4[%mul3A_12] : memref<65536xi32, #tpu.memory_space<hbm>> -> memref<2048xi32, #tpu.memory_space<hbm>>
      %dma_start3A_13 = tpu.memref_slice %arg4[%mul3A_12] : memref<65536xi32, #tpu.memory_space<hbm>> -> memref<2048xi32, #tpu.memory_space<hbm>>
      tpu.enqueue_dma source(%arg9 : memref<2048xi32, #tpu.memory_space<vmem>>) target(%dma_start3A_13 : memref<2048xi32, #tpu.memory_space<hbm>>) target_semaphore(%run_scoped3A : memref<!tpu.dma_semaphore, #tpu.memory_space<semaphore_mem>>)
      %dma_wait3A = tpu.memref_slice %arg4[%mul3A_12] : memref<65536xi32, #tpu.memory_space<hbm>> -> memref<2048xi32, #tpu.memory_space<hbm>>
      %dma_wait3A_14 = tpu.memref_slice %arg4[%mul3A_12] : memref<65536xi32, #tpu.memory_space<hbm>> -> memref<2048xi32, #tpu.memory_space<hbm>>
      tpu.wait_dma2 semaphore(%run_scoped3A : memref<!tpu.dma_semaphore, #tpu.memory_space<semaphore_mem>>) src(%arg9 : memref<2048xi32, #tpu.memory_space<vmem>>) dst(%dma_wait3A_14 : memref<2048xi32, #tpu.memory_space<hbm>>)
      tpu.yield
    }) : () -> ()
    return
  }
}

module attributes {stable_mosaic.version = 14 : i64} {
  func.func @_knn_tile(%arg0: i32, %arg1: i32, %arg2: memref<1x256x3xf32, #tpu.memory_space<vmem>>, %arg3: memref<1x3x4096xf32, #tpu.memory_space<vmem>>, %arg4: memref<1x256x32xi32, #tpu.memory_space<vmem>>) attributes {dimension_semantics = [#tpu.dimension_semantics<arbitrary>, #tpu.dimension_semantics<arbitrary>], iteration_bounds = array<i64: 1, 16>, scalar_prefetch = 0 : i64, scratch_operands = 0 : i64, tpu.core_type = #tpu.core_type<tc>, window_params = [{transform_indices = @transform_0, window_bounds = array<i64: 1, 256, 3>}, {transform_indices = @transform_1, window_bounds = array<i64: 1, 3, 4096>}, {transform_indices = @transform_2, window_bounds = array<i64: 1, 256, 32>}]} {
    %get3A = arith.constant 0 : index
    %get3A_0 = arith.constant 0 : index
    %get3A_1 = arith.constant 0 : index
    %get3A_2 = vector.load %arg3[%get3A, %get3A_0, %get3A_1] : memref<1x3x4096xf32, #tpu.memory_space<vmem>>, vector<1x1x4096xf32>
    %get3A_3 = vector.shape_cast %get3A_2 : vector<1x1x4096xf32> to vector<1x4096xf32>
    %get3A_4 = arith.constant 0 : index
    %get3A_5 = arith.constant 1 : index
    %get3A_6 = arith.constant 0 : index
    %get3A_7 = vector.load %arg3[%get3A_4, %get3A_5, %get3A_6] : memref<1x3x4096xf32, #tpu.memory_space<vmem>>, vector<1x1x4096xf32>
    %get3A_8 = vector.shape_cast %get3A_7 : vector<1x1x4096xf32> to vector<1x4096xf32>
    %get3A_9 = arith.constant 0 : index
    %get3A_10 = arith.constant 2 : index
    %get3A_11 = arith.constant 0 : index
    %get3A_12 = vector.load %arg3[%get3A_9, %get3A_10, %get3A_11] : memref<1x3x4096xf32, #tpu.memory_space<vmem>>, vector<1x1x4096xf32>
    %get3A_13 = vector.shape_cast %get3A_12 : vector<1x1x4096xf32> to vector<1x4096xf32>
    %get3A_14 = arith.constant 0 : index
    %get3A_15 = arith.constant 0 : index
    %get3A_16 = arith.constant 0 : index
    %get3A_17 = vector.load %arg2[%get3A_14, %get3A_15, %get3A_16] : memref<1x256x3xf32, #tpu.memory_space<vmem>>, vector<1x256x1xf32>
    %get3A_18 = vector.shape_cast %get3A_17 : vector<1x256x1xf32> to vector<256x1xf32>
    %get3A_19 = arith.constant 0 : index
    %get3A_20 = arith.constant 0 : index
    %get3A_21 = arith.constant 1 : index
    %get3A_22 = vector.load %arg2[%get3A_19, %get3A_20, %get3A_21] : memref<1x256x3xf32, #tpu.memory_space<vmem>>, vector<1x256x1xf32>
    %get3A_23 = vector.shape_cast %get3A_22 : vector<1x256x1xf32> to vector<256x1xf32>
    %get3A_24 = arith.constant 0 : index
    %get3A_25 = arith.constant 0 : index
    %get3A_26 = arith.constant 2 : index
    %get3A_27 = vector.load %arg2[%get3A_24, %get3A_25, %get3A_26] : memref<1x256x3xf32, #tpu.memory_space<vmem>>, vector<1x256x1xf32>
    %get3A_28 = vector.shape_cast %get3A_27 : vector<1x256x1xf32> to vector<256x1xf32>
    %sub3A = vector.broadcast %get3A_3 : vector<1x4096xf32> to vector<256x4096xf32>
    %sub3A_29 = vector.broadcast %get3A_18 : vector<256x1xf32> to vector<256x4096xf32>
    %sub3A_30 = arith.subf %sub3A, %sub3A_29 : vector<256x4096xf32>
    %sub3A_31 = vector.broadcast %get3A_8 : vector<1x4096xf32> to vector<256x4096xf32>
    %sub3A_32 = vector.broadcast %get3A_23 : vector<256x1xf32> to vector<256x4096xf32>
    %sub3A_33 = arith.subf %sub3A_31, %sub3A_32 : vector<256x4096xf32>
    %sub3A_34 = vector.broadcast %get3A_13 : vector<1x4096xf32> to vector<256x4096xf32>
    %sub3A_35 = vector.broadcast %get3A_28 : vector<256x1xf32> to vector<256x4096xf32>
    %sub3A_36 = arith.subf %sub3A_34, %sub3A_35 : vector<256x4096xf32>
    %mul3A = arith.mulf %sub3A_30, %sub3A_30 : vector<256x4096xf32>
    %mul3A_37 = arith.mulf %sub3A_33, %sub3A_33 : vector<256x4096xf32>
    %add3A = arith.addf %mul3A, %mul3A_37 : vector<256x4096xf32>
    %mul3A_38 = arith.mulf %sub3A_36, %sub3A_36 : vector<256x4096xf32>
    %add3A_39 = arith.addf %add3A, %mul3A_38 : vector<256x4096xf32>
    %iota3A = tpu.iota {dimensions = array<i32: 1>} : vector<256x4096xi32>
    %iota3A_40 = tpu.iota {dimensions = array<i32: 1>} : vector<256x32xi32>
    %broadcast_in_dim3A = arith.constant 0 : i32
    %broadcast_in_dim3A_41 = vector.broadcast %broadcast_in_dim3A : i32 to vector<256x32xi32>
    %argmin3A = tpu.reduce_index %add3A_39 {axis = 1 : i32, kind = #tpu.reduction_kind<arg_min>} : vector<256x4096xf32> -> vector<256xi32>
    %broadcast_in_dim3A_42 = vector.shape_cast %argmin3A : vector<256xi32> to vector<256x1xi32>
    %eq3A = vector.broadcast %broadcast_in_dim3A_42 : vector<256x1xi32> to vector<256x4096xi32>
    %eq3A_43 = arith.cmpi eq, %iota3A, %eq3A : vector<256x4096xi32>
    %jit3A = arith.constant 0x7F800000 : f32
    %broadcast_in_dim3A_44 = vector.broadcast %jit3A : f32 to vector<256x4096xf32>
    %select_n3A = arith.select %eq3A_43, %broadcast_in_dim3A_44, %add3A_39 : vector<256x4096xi1>, vector<256x4096xf32>
    %eq3A_45 = arith.constant 0 : i32
    %eq3A_46 = vector.broadcast %eq3A_45 : i32 to vector<256x32xi32>
    %eq3A_47 = arith.cmpi eq, %iota3A_40, %eq3A_46 : vector<256x32xi32>
    %broadcast_in_dim3A_48 = vector.shape_cast %broadcast_in_dim3A_42 : vector<256x1xi32> to vector<256x1xi32>
    %broadcast_in_dim3A_49 = vector.broadcast %broadcast_in_dim3A_48 : vector<256x1xi32> to vector<256x32xi32>
    %select_n3A_50 = arith.select %eq3A_47, %broadcast_in_dim3A_49, %broadcast_in_dim3A_41 : vector<256x32xi1>, vector<256x32xi32>
    %argmin3A_51 = tpu.reduce_index %select_n3A {axis = 1 : i32, kind = #tpu.reduction_kind<arg_min>} : vector<256x4096xf32> -> vector<256xi32>
    %broadcast_in_dim3A_52 = vector.shape_cast %argmin3A_51 : vector<256xi32> to vector<256x1xi32>
    %eq3A_53 = vector.broadcast %broadcast_in_dim3A_52 : vector<256x1xi32> to vector<256x4096xi32>
    %eq3A_54 = arith.cmpi eq, %iota3A, %eq3A_53 : vector<256x4096xi32>
    %jit3A_55 = arith.constant 0x7F800000 : f32
    %broadcast_in_dim3A_56 = vector.broadcast %jit3A_55 : f32 to vector<256x4096xf32>
    %select_n3A_57 = arith.select %eq3A_54, %broadcast_in_dim3A_56, %select_n3A : vector<256x4096xi1>, vector<256x4096xf32>
    %eq3A_58 = arith.constant 1 : i32
    %eq3A_59 = vector.broadcast %eq3A_58 : i32 to vector<256x32xi32>
    %eq3A_60 = arith.cmpi eq, %iota3A_40, %eq3A_59 : vector<256x32xi32>
    %broadcast_in_dim3A_61 = vector.shape_cast %broadcast_in_dim3A_52 : vector<256x1xi32> to vector<256x1xi32>
    %broadcast_in_dim3A_62 = vector.broadcast %broadcast_in_dim3A_61 : vector<256x1xi32> to vector<256x32xi32>
    %select_n3A_63 = arith.select %eq3A_60, %broadcast_in_dim3A_62, %select_n3A_50 : vector<256x32xi1>, vector<256x32xi32>
    %argmin3A_64 = tpu.reduce_index %select_n3A_57 {axis = 1 : i32, kind = #tpu.reduction_kind<arg_min>} : vector<256x4096xf32> -> vector<256xi32>
    %broadcast_in_dim3A_65 = vector.shape_cast %argmin3A_64 : vector<256xi32> to vector<256x1xi32>
    %eq3A_66 = vector.broadcast %broadcast_in_dim3A_65 : vector<256x1xi32> to vector<256x4096xi32>
    %eq3A_67 = arith.cmpi eq, %iota3A, %eq3A_66 : vector<256x4096xi32>
    %jit3A_68 = arith.constant 0x7F800000 : f32
    %broadcast_in_dim3A_69 = vector.broadcast %jit3A_68 : f32 to vector<256x4096xf32>
    %select_n3A_70 = arith.select %eq3A_67, %broadcast_in_dim3A_69, %select_n3A_57 : vector<256x4096xi1>, vector<256x4096xf32>
    %eq3A_71 = arith.constant 2 : i32
    %eq3A_72 = vector.broadcast %eq3A_71 : i32 to vector<256x32xi32>
    %eq3A_73 = arith.cmpi eq, %iota3A_40, %eq3A_72 : vector<256x32xi32>
    %broadcast_in_dim3A_74 = vector.shape_cast %broadcast_in_dim3A_65 : vector<256x1xi32> to vector<256x1xi32>
    %broadcast_in_dim3A_75 = vector.broadcast %broadcast_in_dim3A_74 : vector<256x1xi32> to vector<256x32xi32>
    %select_n3A_76 = arith.select %eq3A_73, %broadcast_in_dim3A_75, %select_n3A_63 : vector<256x32xi1>, vector<256x32xi32>
    %argmin3A_77 = tpu.reduce_index %select_n3A_70 {axis = 1 : i32, kind = #tpu.reduction_kind<arg_min>} : vector<256x4096xf32> -> vector<256xi32>
    %broadcast_in_dim3A_78 = vector.shape_cast %argmin3A_77 : vector<256xi32> to vector<256x1xi32>
    %eq3A_79 = vector.broadcast %broadcast_in_dim3A_78 : vector<256x1xi32> to vector<256x4096xi32>
    %eq3A_80 = arith.cmpi eq, %iota3A, %eq3A_79 : vector<256x4096xi32>
    %jit3A_81 = arith.constant 0x7F800000 : f32
    %broadcast_in_dim3A_82 = vector.broadcast %jit3A_81 : f32 to vector<256x4096xf32>
    %select_n3A_83 = arith.select %eq3A_80, %broadcast_in_dim3A_82, %select_n3A_70 : vector<256x4096xi1>, vector<256x4096xf32>
    %eq3A_84 = arith.constant 3 : i32
    %eq3A_85 = vector.broadcast %eq3A_84 : i32 to vector<256x32xi32>
    %eq3A_86 = arith.cmpi eq, %iota3A_40, %eq3A_85 : vector<256x32xi32>
    %broadcast_in_dim3A_87 = vector.shape_cast %broadcast_in_dim3A_78 : vector<256x1xi32> to vector<256x1xi32>
    %broadcast_in_dim3A_88 = vector.broadcast %broadcast_in_dim3A_87 : vector<256x1xi32> to vector<256x32xi32>
    %select_n3A_89 = arith.select %eq3A_86, %broadcast_in_dim3A_88, %select_n3A_76 : vector<256x32xi1>, vector<256x32xi32>
    %argmin3A_90 = tpu.reduce_index %select_n3A_83 {axis = 1 : i32, kind = #tpu.reduction_kind<arg_min>} : vector<256x4096xf32> -> vector<256xi32>
    %broadcast_in_dim3A_91 = vector.shape_cast %argmin3A_90 : vector<256xi32> to vector<256x1xi32>
    %eq3A_92 = vector.broadcast %broadcast_in_dim3A_91 : vector<256x1xi32> to vector<256x4096xi32>
    %eq3A_93 = arith.cmpi eq, %iota3A, %eq3A_92 : vector<256x4096xi32>
    %jit3A_94 = arith.constant 0x7F800000 : f32
    %broadcast_in_dim3A_95 = vector.broadcast %jit3A_94 : f32 to vector<256x4096xf32>
    %select_n3A_96 = arith.select %eq3A_93, %broadcast_in_dim3A_95, %select_n3A_83 : vector<256x4096xi1>, vector<256x4096xf32>
    %eq3A_97 = arith.constant 4 : i32
    %eq3A_98 = vector.broadcast %eq3A_97 : i32 to vector<256x32xi32>
    %eq3A_99 = arith.cmpi eq, %iota3A_40, %eq3A_98 : vector<256x32xi32>
    %broadcast_in_dim3A_100 = vector.shape_cast %broadcast_in_dim3A_91 : vector<256x1xi32> to vector<256x1xi32>
    %broadcast_in_dim3A_101 = vector.broadcast %broadcast_in_dim3A_100 : vector<256x1xi32> to vector<256x32xi32>
    %select_n3A_102 = arith.select %eq3A_99, %broadcast_in_dim3A_101, %select_n3A_89 : vector<256x32xi1>, vector<256x32xi32>
    %argmin3A_103 = tpu.reduce_index %select_n3A_96 {axis = 1 : i32, kind = #tpu.reduction_kind<arg_min>} : vector<256x4096xf32> -> vector<256xi32>
    %broadcast_in_dim3A_104 = vector.shape_cast %argmin3A_103 : vector<256xi32> to vector<256x1xi32>
    %eq3A_105 = vector.broadcast %broadcast_in_dim3A_104 : vector<256x1xi32> to vector<256x4096xi32>
    %eq3A_106 = arith.cmpi eq, %iota3A, %eq3A_105 : vector<256x4096xi32>
    %jit3A_107 = arith.constant 0x7F800000 : f32
    %broadcast_in_dim3A_108 = vector.broadcast %jit3A_107 : f32 to vector<256x4096xf32>
    %select_n3A_109 = arith.select %eq3A_106, %broadcast_in_dim3A_108, %select_n3A_96 : vector<256x4096xi1>, vector<256x4096xf32>
    %eq3A_110 = arith.constant 5 : i32
    %eq3A_111 = vector.broadcast %eq3A_110 : i32 to vector<256x32xi32>
    %eq3A_112 = arith.cmpi eq, %iota3A_40, %eq3A_111 : vector<256x32xi32>
    %broadcast_in_dim3A_113 = vector.shape_cast %broadcast_in_dim3A_104 : vector<256x1xi32> to vector<256x1xi32>
    %broadcast_in_dim3A_114 = vector.broadcast %broadcast_in_dim3A_113 : vector<256x1xi32> to vector<256x32xi32>
    %select_n3A_115 = arith.select %eq3A_112, %broadcast_in_dim3A_114, %select_n3A_102 : vector<256x32xi1>, vector<256x32xi32>
    %argmin3A_116 = tpu.reduce_index %select_n3A_109 {axis = 1 : i32, kind = #tpu.reduction_kind<arg_min>} : vector<256x4096xf32> -> vector<256xi32>
    %broadcast_in_dim3A_117 = vector.shape_cast %argmin3A_116 : vector<256xi32> to vector<256x1xi32>
    %eq3A_118 = vector.broadcast %broadcast_in_dim3A_117 : vector<256x1xi32> to vector<256x4096xi32>
    %eq3A_119 = arith.cmpi eq, %iota3A, %eq3A_118 : vector<256x4096xi32>
    %jit3A_120 = arith.constant 0x7F800000 : f32
    %broadcast_in_dim3A_121 = vector.broadcast %jit3A_120 : f32 to vector<256x4096xf32>
    %select_n3A_122 = arith.select %eq3A_119, %broadcast_in_dim3A_121, %select_n3A_109 : vector<256x4096xi1>, vector<256x4096xf32>
    %eq3A_123 = arith.constant 6 : i32
    %eq3A_124 = vector.broadcast %eq3A_123 : i32 to vector<256x32xi32>
    %eq3A_125 = arith.cmpi eq, %iota3A_40, %eq3A_124 : vector<256x32xi32>
    %broadcast_in_dim3A_126 = vector.shape_cast %broadcast_in_dim3A_117 : vector<256x1xi32> to vector<256x1xi32>
    %broadcast_in_dim3A_127 = vector.broadcast %broadcast_in_dim3A_126 : vector<256x1xi32> to vector<256x32xi32>
    %select_n3A_128 = arith.select %eq3A_125, %broadcast_in_dim3A_127, %select_n3A_115 : vector<256x32xi1>, vector<256x32xi32>
    %argmin3A_129 = tpu.reduce_index %select_n3A_122 {axis = 1 : i32, kind = #tpu.reduction_kind<arg_min>} : vector<256x4096xf32> -> vector<256xi32>
    %broadcast_in_dim3A_130 = vector.shape_cast %argmin3A_129 : vector<256xi32> to vector<256x1xi32>
    %eq3A_131 = vector.broadcast %broadcast_in_dim3A_130 : vector<256x1xi32> to vector<256x4096xi32>
    %eq3A_132 = arith.cmpi eq, %iota3A, %eq3A_131 : vector<256x4096xi32>
    %jit3A_133 = arith.constant 0x7F800000 : f32
    %broadcast_in_dim3A_134 = vector.broadcast %jit3A_133 : f32 to vector<256x4096xf32>
    %select_n3A_135 = arith.select %eq3A_132, %broadcast_in_dim3A_134, %select_n3A_122 : vector<256x4096xi1>, vector<256x4096xf32>
    %eq3A_136 = arith.constant 7 : i32
    %eq3A_137 = vector.broadcast %eq3A_136 : i32 to vector<256x32xi32>
    %eq3A_138 = arith.cmpi eq, %iota3A_40, %eq3A_137 : vector<256x32xi32>
    %broadcast_in_dim3A_139 = vector.shape_cast %broadcast_in_dim3A_130 : vector<256x1xi32> to vector<256x1xi32>
    %broadcast_in_dim3A_140 = vector.broadcast %broadcast_in_dim3A_139 : vector<256x1xi32> to vector<256x32xi32>
    %select_n3A_141 = arith.select %eq3A_138, %broadcast_in_dim3A_140, %select_n3A_128 : vector<256x32xi1>, vector<256x32xi32>
    %argmin3A_142 = tpu.reduce_index %select_n3A_135 {axis = 1 : i32, kind = #tpu.reduction_kind<arg_min>} : vector<256x4096xf32> -> vector<256xi32>
    %broadcast_in_dim3A_143 = vector.shape_cast %argmin3A_142 : vector<256xi32> to vector<256x1xi32>
    %eq3A_144 = vector.broadcast %broadcast_in_dim3A_143 : vector<256x1xi32> to vector<256x4096xi32>
    %eq3A_145 = arith.cmpi eq, %iota3A, %eq3A_144 : vector<256x4096xi32>
    %jit3A_146 = arith.constant 0x7F800000 : f32
    %broadcast_in_dim3A_147 = vector.broadcast %jit3A_146 : f32 to vector<256x4096xf32>
    %select_n3A_148 = arith.select %eq3A_145, %broadcast_in_dim3A_147, %select_n3A_135 : vector<256x4096xi1>, vector<256x4096xf32>
    %eq3A_149 = arith.constant 8 : i32
    %eq3A_150 = vector.broadcast %eq3A_149 : i32 to vector<256x32xi32>
    %eq3A_151 = arith.cmpi eq, %iota3A_40, %eq3A_150 : vector<256x32xi32>
    %broadcast_in_dim3A_152 = vector.shape_cast %broadcast_in_dim3A_143 : vector<256x1xi32> to vector<256x1xi32>
    %broadcast_in_dim3A_153 = vector.broadcast %broadcast_in_dim3A_152 : vector<256x1xi32> to vector<256x32xi32>
    %select_n3A_154 = arith.select %eq3A_151, %broadcast_in_dim3A_153, %select_n3A_141 : vector<256x32xi1>, vector<256x32xi32>
    %argmin3A_155 = tpu.reduce_index %select_n3A_148 {axis = 1 : i32, kind = #tpu.reduction_kind<arg_min>} : vector<256x4096xf32> -> vector<256xi32>
    %broadcast_in_dim3A_156 = vector.shape_cast %argmin3A_155 : vector<256xi32> to vector<256x1xi32>
    %eq3A_157 = vector.broadcast %broadcast_in_dim3A_156 : vector<256x1xi32> to vector<256x4096xi32>
    %eq3A_158 = arith.cmpi eq, %iota3A, %eq3A_157 : vector<256x4096xi32>
    %jit3A_159 = arith.constant 0x7F800000 : f32
    %broadcast_in_dim3A_160 = vector.broadcast %jit3A_159 : f32 to vector<256x4096xf32>
    %select_n3A_161 = arith.select %eq3A_158, %broadcast_in_dim3A_160, %select_n3A_148 : vector<256x4096xi1>, vector<256x4096xf32>
    %eq3A_162 = arith.constant 9 : i32
    %eq3A_163 = vector.broadcast %eq3A_162 : i32 to vector<256x32xi32>
    %eq3A_164 = arith.cmpi eq, %iota3A_40, %eq3A_163 : vector<256x32xi32>
    %broadcast_in_dim3A_165 = vector.shape_cast %broadcast_in_dim3A_156 : vector<256x1xi32> to vector<256x1xi32>
    %broadcast_in_dim3A_166 = vector.broadcast %broadcast_in_dim3A_165 : vector<256x1xi32> to vector<256x32xi32>
    %select_n3A_167 = arith.select %eq3A_164, %broadcast_in_dim3A_166, %select_n3A_154 : vector<256x32xi1>, vector<256x32xi32>
    %argmin3A_168 = tpu.reduce_index %select_n3A_161 {axis = 1 : i32, kind = #tpu.reduction_kind<arg_min>} : vector<256x4096xf32> -> vector<256xi32>
    %broadcast_in_dim3A_169 = vector.shape_cast %argmin3A_168 : vector<256xi32> to vector<256x1xi32>
    %eq3A_170 = vector.broadcast %broadcast_in_dim3A_169 : vector<256x1xi32> to vector<256x4096xi32>
    %eq3A_171 = arith.cmpi eq, %iota3A, %eq3A_170 : vector<256x4096xi32>
    %jit3A_172 = arith.constant 0x7F800000 : f32
    %broadcast_in_dim3A_173 = vector.broadcast %jit3A_172 : f32 to vector<256x4096xf32>
    %select_n3A_174 = arith.select %eq3A_171, %broadcast_in_dim3A_173, %select_n3A_161 : vector<256x4096xi1>, vector<256x4096xf32>
    %eq3A_175 = arith.constant 10 : i32
    %eq3A_176 = vector.broadcast %eq3A_175 : i32 to vector<256x32xi32>
    %eq3A_177 = arith.cmpi eq, %iota3A_40, %eq3A_176 : vector<256x32xi32>
    %broadcast_in_dim3A_178 = vector.shape_cast %broadcast_in_dim3A_169 : vector<256x1xi32> to vector<256x1xi32>
    %broadcast_in_dim3A_179 = vector.broadcast %broadcast_in_dim3A_178 : vector<256x1xi32> to vector<256x32xi32>
    %select_n3A_180 = arith.select %eq3A_177, %broadcast_in_dim3A_179, %select_n3A_167 : vector<256x32xi1>, vector<256x32xi32>
    %argmin3A_181 = tpu.reduce_index %select_n3A_174 {axis = 1 : i32, kind = #tpu.reduction_kind<arg_min>} : vector<256x4096xf32> -> vector<256xi32>
    %broadcast_in_dim3A_182 = vector.shape_cast %argmin3A_181 : vector<256xi32> to vector<256x1xi32>
    %eq3A_183 = vector.broadcast %broadcast_in_dim3A_182 : vector<256x1xi32> to vector<256x4096xi32>
    %eq3A_184 = arith.cmpi eq, %iota3A, %eq3A_183 : vector<256x4096xi32>
    %jit3A_185 = arith.constant 0x7F800000 : f32
    %broadcast_in_dim3A_186 = vector.broadcast %jit3A_185 : f32 to vector<256x4096xf32>
    %select_n3A_187 = arith.select %eq3A_184, %broadcast_in_dim3A_186, %select_n3A_174 : vector<256x4096xi1>, vector<256x4096xf32>
    %eq3A_188 = arith.constant 11 : i32
    %eq3A_189 = vector.broadcast %eq3A_188 : i32 to vector<256x32xi32>
    %eq3A_190 = arith.cmpi eq, %iota3A_40, %eq3A_189 : vector<256x32xi32>
    %broadcast_in_dim3A_191 = vector.shape_cast %broadcast_in_dim3A_182 : vector<256x1xi32> to vector<256x1xi32>
    %broadcast_in_dim3A_192 = vector.broadcast %broadcast_in_dim3A_191 : vector<256x1xi32> to vector<256x32xi32>
    %select_n3A_193 = arith.select %eq3A_190, %broadcast_in_dim3A_192, %select_n3A_180 : vector<256x32xi1>, vector<256x32xi32>
    %argmin3A_194 = tpu.reduce_index %select_n3A_187 {axis = 1 : i32, kind = #tpu.reduction_kind<arg_min>} : vector<256x4096xf32> -> vector<256xi32>
    %broadcast_in_dim3A_195 = vector.shape_cast %argmin3A_194 : vector<256xi32> to vector<256x1xi32>
    %eq3A_196 = vector.broadcast %broadcast_in_dim3A_195 : vector<256x1xi32> to vector<256x4096xi32>
    %eq3A_197 = arith.cmpi eq, %iota3A, %eq3A_196 : vector<256x4096xi32>
    %jit3A_198 = arith.constant 0x7F800000 : f32
    %broadcast_in_dim3A_199 = vector.broadcast %jit3A_198 : f32 to vector<256x4096xf32>
    %select_n3A_200 = arith.select %eq3A_197, %broadcast_in_dim3A_199, %select_n3A_187 : vector<256x4096xi1>, vector<256x4096xf32>
    %eq3A_201 = arith.constant 12 : i32
    %eq3A_202 = vector.broadcast %eq3A_201 : i32 to vector<256x32xi32>
    %eq3A_203 = arith.cmpi eq, %iota3A_40, %eq3A_202 : vector<256x32xi32>
    %broadcast_in_dim3A_204 = vector.shape_cast %broadcast_in_dim3A_195 : vector<256x1xi32> to vector<256x1xi32>
    %broadcast_in_dim3A_205 = vector.broadcast %broadcast_in_dim3A_204 : vector<256x1xi32> to vector<256x32xi32>
    %select_n3A_206 = arith.select %eq3A_203, %broadcast_in_dim3A_205, %select_n3A_193 : vector<256x32xi1>, vector<256x32xi32>
    %argmin3A_207 = tpu.reduce_index %select_n3A_200 {axis = 1 : i32, kind = #tpu.reduction_kind<arg_min>} : vector<256x4096xf32> -> vector<256xi32>
    %broadcast_in_dim3A_208 = vector.shape_cast %argmin3A_207 : vector<256xi32> to vector<256x1xi32>
    %eq3A_209 = vector.broadcast %broadcast_in_dim3A_208 : vector<256x1xi32> to vector<256x4096xi32>
    %eq3A_210 = arith.cmpi eq, %iota3A, %eq3A_209 : vector<256x4096xi32>
    %jit3A_211 = arith.constant 0x7F800000 : f32
    %broadcast_in_dim3A_212 = vector.broadcast %jit3A_211 : f32 to vector<256x4096xf32>
    %select_n3A_213 = arith.select %eq3A_210, %broadcast_in_dim3A_212, %select_n3A_200 : vector<256x4096xi1>, vector<256x4096xf32>
    %eq3A_214 = arith.constant 13 : i32
    %eq3A_215 = vector.broadcast %eq3A_214 : i32 to vector<256x32xi32>
    %eq3A_216 = arith.cmpi eq, %iota3A_40, %eq3A_215 : vector<256x32xi32>
    %broadcast_in_dim3A_217 = vector.shape_cast %broadcast_in_dim3A_208 : vector<256x1xi32> to vector<256x1xi32>
    %broadcast_in_dim3A_218 = vector.broadcast %broadcast_in_dim3A_217 : vector<256x1xi32> to vector<256x32xi32>
    %select_n3A_219 = arith.select %eq3A_216, %broadcast_in_dim3A_218, %select_n3A_206 : vector<256x32xi1>, vector<256x32xi32>
    %argmin3A_220 = tpu.reduce_index %select_n3A_213 {axis = 1 : i32, kind = #tpu.reduction_kind<arg_min>} : vector<256x4096xf32> -> vector<256xi32>
    %broadcast_in_dim3A_221 = vector.shape_cast %argmin3A_220 : vector<256xi32> to vector<256x1xi32>
    %eq3A_222 = vector.broadcast %broadcast_in_dim3A_221 : vector<256x1xi32> to vector<256x4096xi32>
    %eq3A_223 = arith.cmpi eq, %iota3A, %eq3A_222 : vector<256x4096xi32>
    %jit3A_224 = arith.constant 0x7F800000 : f32
    %broadcast_in_dim3A_225 = vector.broadcast %jit3A_224 : f32 to vector<256x4096xf32>
    %select_n3A_226 = arith.select %eq3A_223, %broadcast_in_dim3A_225, %select_n3A_213 : vector<256x4096xi1>, vector<256x4096xf32>
    %eq3A_227 = arith.constant 14 : i32
    %eq3A_228 = vector.broadcast %eq3A_227 : i32 to vector<256x32xi32>
    %eq3A_229 = arith.cmpi eq, %iota3A_40, %eq3A_228 : vector<256x32xi32>
    %broadcast_in_dim3A_230 = vector.shape_cast %broadcast_in_dim3A_221 : vector<256x1xi32> to vector<256x1xi32>
    %broadcast_in_dim3A_231 = vector.broadcast %broadcast_in_dim3A_230 : vector<256x1xi32> to vector<256x32xi32>
    %select_n3A_232 = arith.select %eq3A_229, %broadcast_in_dim3A_231, %select_n3A_219 : vector<256x32xi1>, vector<256x32xi32>
    %argmin3A_233 = tpu.reduce_index %select_n3A_226 {axis = 1 : i32, kind = #tpu.reduction_kind<arg_min>} : vector<256x4096xf32> -> vector<256xi32>
    %broadcast_in_dim3A_234 = vector.shape_cast %argmin3A_233 : vector<256xi32> to vector<256x1xi32>
    %eq3A_235 = vector.broadcast %broadcast_in_dim3A_234 : vector<256x1xi32> to vector<256x4096xi32>
    %eq3A_236 = arith.cmpi eq, %iota3A, %eq3A_235 : vector<256x4096xi32>
    %jit3A_237 = arith.constant 0x7F800000 : f32
    %broadcast_in_dim3A_238 = vector.broadcast %jit3A_237 : f32 to vector<256x4096xf32>
    %select_n3A_239 = arith.select %eq3A_236, %broadcast_in_dim3A_238, %select_n3A_226 : vector<256x4096xi1>, vector<256x4096xf32>
    %eq3A_240 = arith.constant 15 : i32
    %eq3A_241 = vector.broadcast %eq3A_240 : i32 to vector<256x32xi32>
    %eq3A_242 = arith.cmpi eq, %iota3A_40, %eq3A_241 : vector<256x32xi32>
    %broadcast_in_dim3A_243 = vector.shape_cast %broadcast_in_dim3A_234 : vector<256x1xi32> to vector<256x1xi32>
    %broadcast_in_dim3A_244 = vector.broadcast %broadcast_in_dim3A_243 : vector<256x1xi32> to vector<256x32xi32>
    %select_n3A_245 = arith.select %eq3A_242, %broadcast_in_dim3A_244, %select_n3A_232 : vector<256x32xi1>, vector<256x32xi32>
    %argmin3A_246 = tpu.reduce_index %select_n3A_239 {axis = 1 : i32, kind = #tpu.reduction_kind<arg_min>} : vector<256x4096xf32> -> vector<256xi32>
    %broadcast_in_dim3A_247 = vector.shape_cast %argmin3A_246 : vector<256xi32> to vector<256x1xi32>
    %eq3A_248 = vector.broadcast %broadcast_in_dim3A_247 : vector<256x1xi32> to vector<256x4096xi32>
    %eq3A_249 = arith.cmpi eq, %iota3A, %eq3A_248 : vector<256x4096xi32>
    %jit3A_250 = arith.constant 0x7F800000 : f32
    %broadcast_in_dim3A_251 = vector.broadcast %jit3A_250 : f32 to vector<256x4096xf32>
    %select_n3A_252 = arith.select %eq3A_249, %broadcast_in_dim3A_251, %select_n3A_239 : vector<256x4096xi1>, vector<256x4096xf32>
    %eq3A_253 = arith.constant 16 : i32
    %eq3A_254 = vector.broadcast %eq3A_253 : i32 to vector<256x32xi32>
    %eq3A_255 = arith.cmpi eq, %iota3A_40, %eq3A_254 : vector<256x32xi32>
    %broadcast_in_dim3A_256 = vector.shape_cast %broadcast_in_dim3A_247 : vector<256x1xi32> to vector<256x1xi32>
    %broadcast_in_dim3A_257 = vector.broadcast %broadcast_in_dim3A_256 : vector<256x1xi32> to vector<256x32xi32>
    %select_n3A_258 = arith.select %eq3A_255, %broadcast_in_dim3A_257, %select_n3A_245 : vector<256x32xi1>, vector<256x32xi32>
    %argmin3A_259 = tpu.reduce_index %select_n3A_252 {axis = 1 : i32, kind = #tpu.reduction_kind<arg_min>} : vector<256x4096xf32> -> vector<256xi32>
    %broadcast_in_dim3A_260 = vector.shape_cast %argmin3A_259 : vector<256xi32> to vector<256x1xi32>
    %eq3A_261 = vector.broadcast %broadcast_in_dim3A_260 : vector<256x1xi32> to vector<256x4096xi32>
    %eq3A_262 = arith.cmpi eq, %iota3A, %eq3A_261 : vector<256x4096xi32>
    %jit3A_263 = arith.constant 0x7F800000 : f32
    %broadcast_in_dim3A_264 = vector.broadcast %jit3A_263 : f32 to vector<256x4096xf32>
    %select_n3A_265 = arith.select %eq3A_262, %broadcast_in_dim3A_264, %select_n3A_252 : vector<256x4096xi1>, vector<256x4096xf32>
    %eq3A_266 = arith.constant 17 : i32
    %eq3A_267 = vector.broadcast %eq3A_266 : i32 to vector<256x32xi32>
    %eq3A_268 = arith.cmpi eq, %iota3A_40, %eq3A_267 : vector<256x32xi32>
    %broadcast_in_dim3A_269 = vector.shape_cast %broadcast_in_dim3A_260 : vector<256x1xi32> to vector<256x1xi32>
    %broadcast_in_dim3A_270 = vector.broadcast %broadcast_in_dim3A_269 : vector<256x1xi32> to vector<256x32xi32>
    %select_n3A_271 = arith.select %eq3A_268, %broadcast_in_dim3A_270, %select_n3A_258 : vector<256x32xi1>, vector<256x32xi32>
    %argmin3A_272 = tpu.reduce_index %select_n3A_265 {axis = 1 : i32, kind = #tpu.reduction_kind<arg_min>} : vector<256x4096xf32> -> vector<256xi32>
    %broadcast_in_dim3A_273 = vector.shape_cast %argmin3A_272 : vector<256xi32> to vector<256x1xi32>
    %eq3A_274 = vector.broadcast %broadcast_in_dim3A_273 : vector<256x1xi32> to vector<256x4096xi32>
    %eq3A_275 = arith.cmpi eq, %iota3A, %eq3A_274 : vector<256x4096xi32>
    %jit3A_276 = arith.constant 0x7F800000 : f32
    %broadcast_in_dim3A_277 = vector.broadcast %jit3A_276 : f32 to vector<256x4096xf32>
    %select_n3A_278 = arith.select %eq3A_275, %broadcast_in_dim3A_277, %select_n3A_265 : vector<256x4096xi1>, vector<256x4096xf32>
    %eq3A_279 = arith.constant 18 : i32
    %eq3A_280 = vector.broadcast %eq3A_279 : i32 to vector<256x32xi32>
    %eq3A_281 = arith.cmpi eq, %iota3A_40, %eq3A_280 : vector<256x32xi32>
    %broadcast_in_dim3A_282 = vector.shape_cast %broadcast_in_dim3A_273 : vector<256x1xi32> to vector<256x1xi32>
    %broadcast_in_dim3A_283 = vector.broadcast %broadcast_in_dim3A_282 : vector<256x1xi32> to vector<256x32xi32>
    %select_n3A_284 = arith.select %eq3A_281, %broadcast_in_dim3A_283, %select_n3A_271 : vector<256x32xi1>, vector<256x32xi32>
    %argmin3A_285 = tpu.reduce_index %select_n3A_278 {axis = 1 : i32, kind = #tpu.reduction_kind<arg_min>} : vector<256x4096xf32> -> vector<256xi32>
    %broadcast_in_dim3A_286 = vector.shape_cast %argmin3A_285 : vector<256xi32> to vector<256x1xi32>
    %eq3A_287 = vector.broadcast %broadcast_in_dim3A_286 : vector<256x1xi32> to vector<256x4096xi32>
    %eq3A_288 = arith.cmpi eq, %iota3A, %eq3A_287 : vector<256x4096xi32>
    %jit3A_289 = arith.constant 0x7F800000 : f32
    %broadcast_in_dim3A_290 = vector.broadcast %jit3A_289 : f32 to vector<256x4096xf32>
    %select_n3A_291 = arith.select %eq3A_288, %broadcast_in_dim3A_290, %select_n3A_278 : vector<256x4096xi1>, vector<256x4096xf32>
    %eq3A_292 = arith.constant 19 : i32
    %eq3A_293 = vector.broadcast %eq3A_292 : i32 to vector<256x32xi32>
    %eq3A_294 = arith.cmpi eq, %iota3A_40, %eq3A_293 : vector<256x32xi32>
    %broadcast_in_dim3A_295 = vector.shape_cast %broadcast_in_dim3A_286 : vector<256x1xi32> to vector<256x1xi32>
    %broadcast_in_dim3A_296 = vector.broadcast %broadcast_in_dim3A_295 : vector<256x1xi32> to vector<256x32xi32>
    %select_n3A_297 = arith.select %eq3A_294, %broadcast_in_dim3A_296, %select_n3A_284 : vector<256x32xi1>, vector<256x32xi32>
    %argmin3A_298 = tpu.reduce_index %select_n3A_291 {axis = 1 : i32, kind = #tpu.reduction_kind<arg_min>} : vector<256x4096xf32> -> vector<256xi32>
    %broadcast_in_dim3A_299 = vector.shape_cast %argmin3A_298 : vector<256xi32> to vector<256x1xi32>
    %eq3A_300 = vector.broadcast %broadcast_in_dim3A_299 : vector<256x1xi32> to vector<256x4096xi32>
    %eq3A_301 = arith.cmpi eq, %iota3A, %eq3A_300 : vector<256x4096xi32>
    %jit3A_302 = arith.constant 0x7F800000 : f32
    %broadcast_in_dim3A_303 = vector.broadcast %jit3A_302 : f32 to vector<256x4096xf32>
    %select_n3A_304 = arith.select %eq3A_301, %broadcast_in_dim3A_303, %select_n3A_291 : vector<256x4096xi1>, vector<256x4096xf32>
    %eq3A_305 = arith.constant 20 : i32
    %eq3A_306 = vector.broadcast %eq3A_305 : i32 to vector<256x32xi32>
    %eq3A_307 = arith.cmpi eq, %iota3A_40, %eq3A_306 : vector<256x32xi32>
    %broadcast_in_dim3A_308 = vector.shape_cast %broadcast_in_dim3A_299 : vector<256x1xi32> to vector<256x1xi32>
    %broadcast_in_dim3A_309 = vector.broadcast %broadcast_in_dim3A_308 : vector<256x1xi32> to vector<256x32xi32>
    %select_n3A_310 = arith.select %eq3A_307, %broadcast_in_dim3A_309, %select_n3A_297 : vector<256x32xi1>, vector<256x32xi32>
    %argmin3A_311 = tpu.reduce_index %select_n3A_304 {axis = 1 : i32, kind = #tpu.reduction_kind<arg_min>} : vector<256x4096xf32> -> vector<256xi32>
    %broadcast_in_dim3A_312 = vector.shape_cast %argmin3A_311 : vector<256xi32> to vector<256x1xi32>
    %eq3A_313 = vector.broadcast %broadcast_in_dim3A_312 : vector<256x1xi32> to vector<256x4096xi32>
    %eq3A_314 = arith.cmpi eq, %iota3A, %eq3A_313 : vector<256x4096xi32>
    %jit3A_315 = arith.constant 0x7F800000 : f32
    %broadcast_in_dim3A_316 = vector.broadcast %jit3A_315 : f32 to vector<256x4096xf32>
    %select_n3A_317 = arith.select %eq3A_314, %broadcast_in_dim3A_316, %select_n3A_304 : vector<256x4096xi1>, vector<256x4096xf32>
    %eq3A_318 = arith.constant 21 : i32
    %eq3A_319 = vector.broadcast %eq3A_318 : i32 to vector<256x32xi32>
    %eq3A_320 = arith.cmpi eq, %iota3A_40, %eq3A_319 : vector<256x32xi32>
    %broadcast_in_dim3A_321 = vector.shape_cast %broadcast_in_dim3A_312 : vector<256x1xi32> to vector<256x1xi32>
    %broadcast_in_dim3A_322 = vector.broadcast %broadcast_in_dim3A_321 : vector<256x1xi32> to vector<256x32xi32>
    %select_n3A_323 = arith.select %eq3A_320, %broadcast_in_dim3A_322, %select_n3A_310 : vector<256x32xi1>, vector<256x32xi32>
    %argmin3A_324 = tpu.reduce_index %select_n3A_317 {axis = 1 : i32, kind = #tpu.reduction_kind<arg_min>} : vector<256x4096xf32> -> vector<256xi32>
    %broadcast_in_dim3A_325 = vector.shape_cast %argmin3A_324 : vector<256xi32> to vector<256x1xi32>
    %eq3A_326 = vector.broadcast %broadcast_in_dim3A_325 : vector<256x1xi32> to vector<256x4096xi32>
    %eq3A_327 = arith.cmpi eq, %iota3A, %eq3A_326 : vector<256x4096xi32>
    %jit3A_328 = arith.constant 0x7F800000 : f32
    %broadcast_in_dim3A_329 = vector.broadcast %jit3A_328 : f32 to vector<256x4096xf32>
    %select_n3A_330 = arith.select %eq3A_327, %broadcast_in_dim3A_329, %select_n3A_317 : vector<256x4096xi1>, vector<256x4096xf32>
    %eq3A_331 = arith.constant 22 : i32
    %eq3A_332 = vector.broadcast %eq3A_331 : i32 to vector<256x32xi32>
    %eq3A_333 = arith.cmpi eq, %iota3A_40, %eq3A_332 : vector<256x32xi32>
    %broadcast_in_dim3A_334 = vector.shape_cast %broadcast_in_dim3A_325 : vector<256x1xi32> to vector<256x1xi32>
    %broadcast_in_dim3A_335 = vector.broadcast %broadcast_in_dim3A_334 : vector<256x1xi32> to vector<256x32xi32>
    %select_n3A_336 = arith.select %eq3A_333, %broadcast_in_dim3A_335, %select_n3A_323 : vector<256x32xi1>, vector<256x32xi32>
    %argmin3A_337 = tpu.reduce_index %select_n3A_330 {axis = 1 : i32, kind = #tpu.reduction_kind<arg_min>} : vector<256x4096xf32> -> vector<256xi32>
    %broadcast_in_dim3A_338 = vector.shape_cast %argmin3A_337 : vector<256xi32> to vector<256x1xi32>
    %eq3A_339 = vector.broadcast %broadcast_in_dim3A_338 : vector<256x1xi32> to vector<256x4096xi32>
    %eq3A_340 = arith.cmpi eq, %iota3A, %eq3A_339 : vector<256x4096xi32>
    %jit3A_341 = arith.constant 0x7F800000 : f32
    %broadcast_in_dim3A_342 = vector.broadcast %jit3A_341 : f32 to vector<256x4096xf32>
    %select_n3A_343 = arith.select %eq3A_340, %broadcast_in_dim3A_342, %select_n3A_330 : vector<256x4096xi1>, vector<256x4096xf32>
    %eq3A_344 = arith.constant 23 : i32
    %eq3A_345 = vector.broadcast %eq3A_344 : i32 to vector<256x32xi32>
    %eq3A_346 = arith.cmpi eq, %iota3A_40, %eq3A_345 : vector<256x32xi32>
    %broadcast_in_dim3A_347 = vector.shape_cast %broadcast_in_dim3A_338 : vector<256x1xi32> to vector<256x1xi32>
    %broadcast_in_dim3A_348 = vector.broadcast %broadcast_in_dim3A_347 : vector<256x1xi32> to vector<256x32xi32>
    %select_n3A_349 = arith.select %eq3A_346, %broadcast_in_dim3A_348, %select_n3A_336 : vector<256x32xi1>, vector<256x32xi32>
    %argmin3A_350 = tpu.reduce_index %select_n3A_343 {axis = 1 : i32, kind = #tpu.reduction_kind<arg_min>} : vector<256x4096xf32> -> vector<256xi32>
    %broadcast_in_dim3A_351 = vector.shape_cast %argmin3A_350 : vector<256xi32> to vector<256x1xi32>
    %eq3A_352 = vector.broadcast %broadcast_in_dim3A_351 : vector<256x1xi32> to vector<256x4096xi32>
    %eq3A_353 = arith.cmpi eq, %iota3A, %eq3A_352 : vector<256x4096xi32>
    %jit3A_354 = arith.constant 0x7F800000 : f32
    %broadcast_in_dim3A_355 = vector.broadcast %jit3A_354 : f32 to vector<256x4096xf32>
    %select_n3A_356 = arith.select %eq3A_353, %broadcast_in_dim3A_355, %select_n3A_343 : vector<256x4096xi1>, vector<256x4096xf32>
    %eq3A_357 = arith.constant 24 : i32
    %eq3A_358 = vector.broadcast %eq3A_357 : i32 to vector<256x32xi32>
    %eq3A_359 = arith.cmpi eq, %iota3A_40, %eq3A_358 : vector<256x32xi32>
    %broadcast_in_dim3A_360 = vector.shape_cast %broadcast_in_dim3A_351 : vector<256x1xi32> to vector<256x1xi32>
    %broadcast_in_dim3A_361 = vector.broadcast %broadcast_in_dim3A_360 : vector<256x1xi32> to vector<256x32xi32>
    %select_n3A_362 = arith.select %eq3A_359, %broadcast_in_dim3A_361, %select_n3A_349 : vector<256x32xi1>, vector<256x32xi32>
    %argmin3A_363 = tpu.reduce_index %select_n3A_356 {axis = 1 : i32, kind = #tpu.reduction_kind<arg_min>} : vector<256x4096xf32> -> vector<256xi32>
    %broadcast_in_dim3A_364 = vector.shape_cast %argmin3A_363 : vector<256xi32> to vector<256x1xi32>
    %eq3A_365 = vector.broadcast %broadcast_in_dim3A_364 : vector<256x1xi32> to vector<256x4096xi32>
    %eq3A_366 = arith.cmpi eq, %iota3A, %eq3A_365 : vector<256x4096xi32>
    %jit3A_367 = arith.constant 0x7F800000 : f32
    %broadcast_in_dim3A_368 = vector.broadcast %jit3A_367 : f32 to vector<256x4096xf32>
    %select_n3A_369 = arith.select %eq3A_366, %broadcast_in_dim3A_368, %select_n3A_356 : vector<256x4096xi1>, vector<256x4096xf32>
    %eq3A_370 = arith.constant 25 : i32
    %eq3A_371 = vector.broadcast %eq3A_370 : i32 to vector<256x32xi32>
    %eq3A_372 = arith.cmpi eq, %iota3A_40, %eq3A_371 : vector<256x32xi32>
    %broadcast_in_dim3A_373 = vector.shape_cast %broadcast_in_dim3A_364 : vector<256x1xi32> to vector<256x1xi32>
    %broadcast_in_dim3A_374 = vector.broadcast %broadcast_in_dim3A_373 : vector<256x1xi32> to vector<256x32xi32>
    %select_n3A_375 = arith.select %eq3A_372, %broadcast_in_dim3A_374, %select_n3A_362 : vector<256x32xi1>, vector<256x32xi32>
    %argmin3A_376 = tpu.reduce_index %select_n3A_369 {axis = 1 : i32, kind = #tpu.reduction_kind<arg_min>} : vector<256x4096xf32> -> vector<256xi32>
    %broadcast_in_dim3A_377 = vector.shape_cast %argmin3A_376 : vector<256xi32> to vector<256x1xi32>
    %eq3A_378 = vector.broadcast %broadcast_in_dim3A_377 : vector<256x1xi32> to vector<256x4096xi32>
    %eq3A_379 = arith.cmpi eq, %iota3A, %eq3A_378 : vector<256x4096xi32>
    %jit3A_380 = arith.constant 0x7F800000 : f32
    %broadcast_in_dim3A_381 = vector.broadcast %jit3A_380 : f32 to vector<256x4096xf32>
    %select_n3A_382 = arith.select %eq3A_379, %broadcast_in_dim3A_381, %select_n3A_369 : vector<256x4096xi1>, vector<256x4096xf32>
    %eq3A_383 = arith.constant 26 : i32
    %eq3A_384 = vector.broadcast %eq3A_383 : i32 to vector<256x32xi32>
    %eq3A_385 = arith.cmpi eq, %iota3A_40, %eq3A_384 : vector<256x32xi32>
    %broadcast_in_dim3A_386 = vector.shape_cast %broadcast_in_dim3A_377 : vector<256x1xi32> to vector<256x1xi32>
    %broadcast_in_dim3A_387 = vector.broadcast %broadcast_in_dim3A_386 : vector<256x1xi32> to vector<256x32xi32>
    %select_n3A_388 = arith.select %eq3A_385, %broadcast_in_dim3A_387, %select_n3A_375 : vector<256x32xi1>, vector<256x32xi32>
    %argmin3A_389 = tpu.reduce_index %select_n3A_382 {axis = 1 : i32, kind = #tpu.reduction_kind<arg_min>} : vector<256x4096xf32> -> vector<256xi32>
    %broadcast_in_dim3A_390 = vector.shape_cast %argmin3A_389 : vector<256xi32> to vector<256x1xi32>
    %eq3A_391 = vector.broadcast %broadcast_in_dim3A_390 : vector<256x1xi32> to vector<256x4096xi32>
    %eq3A_392 = arith.cmpi eq, %iota3A, %eq3A_391 : vector<256x4096xi32>
    %jit3A_393 = arith.constant 0x7F800000 : f32
    %broadcast_in_dim3A_394 = vector.broadcast %jit3A_393 : f32 to vector<256x4096xf32>
    %select_n3A_395 = arith.select %eq3A_392, %broadcast_in_dim3A_394, %select_n3A_382 : vector<256x4096xi1>, vector<256x4096xf32>
    %eq3A_396 = arith.constant 27 : i32
    %eq3A_397 = vector.broadcast %eq3A_396 : i32 to vector<256x32xi32>
    %eq3A_398 = arith.cmpi eq, %iota3A_40, %eq3A_397 : vector<256x32xi32>
    %broadcast_in_dim3A_399 = vector.shape_cast %broadcast_in_dim3A_390 : vector<256x1xi32> to vector<256x1xi32>
    %broadcast_in_dim3A_400 = vector.broadcast %broadcast_in_dim3A_399 : vector<256x1xi32> to vector<256x32xi32>
    %select_n3A_401 = arith.select %eq3A_398, %broadcast_in_dim3A_400, %select_n3A_388 : vector<256x32xi1>, vector<256x32xi32>
    %argmin3A_402 = tpu.reduce_index %select_n3A_395 {axis = 1 : i32, kind = #tpu.reduction_kind<arg_min>} : vector<256x4096xf32> -> vector<256xi32>
    %broadcast_in_dim3A_403 = vector.shape_cast %argmin3A_402 : vector<256xi32> to vector<256x1xi32>
    %eq3A_404 = vector.broadcast %broadcast_in_dim3A_403 : vector<256x1xi32> to vector<256x4096xi32>
    %eq3A_405 = arith.cmpi eq, %iota3A, %eq3A_404 : vector<256x4096xi32>
    %jit3A_406 = arith.constant 0x7F800000 : f32
    %broadcast_in_dim3A_407 = vector.broadcast %jit3A_406 : f32 to vector<256x4096xf32>
    %select_n3A_408 = arith.select %eq3A_405, %broadcast_in_dim3A_407, %select_n3A_395 : vector<256x4096xi1>, vector<256x4096xf32>
    %eq3A_409 = arith.constant 28 : i32
    %eq3A_410 = vector.broadcast %eq3A_409 : i32 to vector<256x32xi32>
    %eq3A_411 = arith.cmpi eq, %iota3A_40, %eq3A_410 : vector<256x32xi32>
    %broadcast_in_dim3A_412 = vector.shape_cast %broadcast_in_dim3A_403 : vector<256x1xi32> to vector<256x1xi32>
    %broadcast_in_dim3A_413 = vector.broadcast %broadcast_in_dim3A_412 : vector<256x1xi32> to vector<256x32xi32>
    %select_n3A_414 = arith.select %eq3A_411, %broadcast_in_dim3A_413, %select_n3A_401 : vector<256x32xi1>, vector<256x32xi32>
    %argmin3A_415 = tpu.reduce_index %select_n3A_408 {axis = 1 : i32, kind = #tpu.reduction_kind<arg_min>} : vector<256x4096xf32> -> vector<256xi32>
    %broadcast_in_dim3A_416 = vector.shape_cast %argmin3A_415 : vector<256xi32> to vector<256x1xi32>
    %eq3A_417 = vector.broadcast %broadcast_in_dim3A_416 : vector<256x1xi32> to vector<256x4096xi32>
    %eq3A_418 = arith.cmpi eq, %iota3A, %eq3A_417 : vector<256x4096xi32>
    %jit3A_419 = arith.constant 0x7F800000 : f32
    %broadcast_in_dim3A_420 = vector.broadcast %jit3A_419 : f32 to vector<256x4096xf32>
    %select_n3A_421 = arith.select %eq3A_418, %broadcast_in_dim3A_420, %select_n3A_408 : vector<256x4096xi1>, vector<256x4096xf32>
    %eq3A_422 = arith.constant 29 : i32
    %eq3A_423 = vector.broadcast %eq3A_422 : i32 to vector<256x32xi32>
    %eq3A_424 = arith.cmpi eq, %iota3A_40, %eq3A_423 : vector<256x32xi32>
    %broadcast_in_dim3A_425 = vector.shape_cast %broadcast_in_dim3A_416 : vector<256x1xi32> to vector<256x1xi32>
    %broadcast_in_dim3A_426 = vector.broadcast %broadcast_in_dim3A_425 : vector<256x1xi32> to vector<256x32xi32>
    %select_n3A_427 = arith.select %eq3A_424, %broadcast_in_dim3A_426, %select_n3A_414 : vector<256x32xi1>, vector<256x32xi32>
    %argmin3A_428 = tpu.reduce_index %select_n3A_421 {axis = 1 : i32, kind = #tpu.reduction_kind<arg_min>} : vector<256x4096xf32> -> vector<256xi32>
    %broadcast_in_dim3A_429 = vector.shape_cast %argmin3A_428 : vector<256xi32> to vector<256x1xi32>
    %eq3A_430 = vector.broadcast %broadcast_in_dim3A_429 : vector<256x1xi32> to vector<256x4096xi32>
    %eq3A_431 = arith.cmpi eq, %iota3A, %eq3A_430 : vector<256x4096xi32>
    %jit3A_432 = arith.constant 0x7F800000 : f32
    %broadcast_in_dim3A_433 = vector.broadcast %jit3A_432 : f32 to vector<256x4096xf32>
    %select_n3A_434 = arith.select %eq3A_431, %broadcast_in_dim3A_433, %select_n3A_421 : vector<256x4096xi1>, vector<256x4096xf32>
    %eq3A_435 = arith.constant 30 : i32
    %eq3A_436 = vector.broadcast %eq3A_435 : i32 to vector<256x32xi32>
    %eq3A_437 = arith.cmpi eq, %iota3A_40, %eq3A_436 : vector<256x32xi32>
    %broadcast_in_dim3A_438 = vector.shape_cast %broadcast_in_dim3A_429 : vector<256x1xi32> to vector<256x1xi32>
    %broadcast_in_dim3A_439 = vector.broadcast %broadcast_in_dim3A_438 : vector<256x1xi32> to vector<256x32xi32>
    %select_n3A_440 = arith.select %eq3A_437, %broadcast_in_dim3A_439, %select_n3A_427 : vector<256x32xi1>, vector<256x32xi32>
    %argmin3A_441 = tpu.reduce_index %select_n3A_434 {axis = 1 : i32, kind = #tpu.reduction_kind<arg_min>} : vector<256x4096xf32> -> vector<256xi32>
    %broadcast_in_dim3A_442 = vector.shape_cast %argmin3A_441 : vector<256xi32> to vector<256x1xi32>
    %eq3A_443 = arith.constant 31 : i32
    %eq3A_444 = vector.broadcast %eq3A_443 : i32 to vector<256x32xi32>
    %eq3A_445 = arith.cmpi eq, %iota3A_40, %eq3A_444 : vector<256x32xi32>
    %broadcast_in_dim3A_446 = vector.shape_cast %broadcast_in_dim3A_442 : vector<256x1xi32> to vector<256x1xi32>
    %broadcast_in_dim3A_447 = vector.broadcast %broadcast_in_dim3A_446 : vector<256x1xi32> to vector<256x32xi32>
    %select_n3A_448 = arith.select %eq3A_445, %broadcast_in_dim3A_447, %select_n3A_440 : vector<256x32xi1>, vector<256x32xi32>
    %swap3A = arith.constant 0 : index
    %swap3A_449 = arith.constant 0 : index
    %swap3A_450 = arith.constant 0 : index
    %swap3A_451 = vector.load %arg4[%swap3A, %swap3A_449, %swap3A_450] : memref<1x256x32xi32, #tpu.memory_space<vmem>>, vector<1x256x32xi32>
    %swap3A_452 = vector.shape_cast %swap3A_451 : vector<1x256x32xi32> to vector<256x32xi32>
    %swap3A_453 = vector.shape_cast %select_n3A_448 : vector<256x32xi32> to vector<1x256x32xi32>
    tpu.vector_store %arg4[%swap3A, %swap3A_449, %swap3A_450], %swap3A_453 {strides = array<i32>} : memref<1x256x32xi32, #tpu.memory_space<vmem>>, vector<1x256x32xi32>,
    return
  }
  func.func @transform_0(%arg0: i32, %arg1: i32) -> (i32, i32, i32) {
    %c0_i32 = arith.constant 0 : i32
    %c0_i32_0 = arith.constant 0 : i32
    return %arg0, %arg1, %c0_i32 : i32, i32, i32
  }
  func.func @transform_1(%arg0: i32, %arg1: i32) -> (i32, i32, i32) {
    %c0_i32 = arith.constant 0 : i32
    %c0_i32_0 = arith.constant 0 : i32
    %c0_i32_1 = arith.constant 0 : i32
    return %arg0, %c0_i32, %c0_i32_0 : i32, i32, i32
  }
  func.func @transform_2(%arg0: i32, %arg1: i32) -> (i32, i32, i32) {
    %c0_i32 = arith.constant 0 : i32
    %c0_i32_0 = arith.constant 0 : i32
    return %arg0, %arg1, %c0_i32 : i32, i32, i32
  }
}

</mosaic_0001>

<sc_bundles>
// kernel: kernel.6.cloned.1.call-start
scs
__scs_entry_jumppad:
0x0: {  	(pc) =	sbr.rel $0x88, $3  }
0x1: {  	(tag) =	ssettag $0x0;
	lr =	simm.s32 $0x1  }
0x2: {  	[smem:$0x3FA0] =	sst lr;
	_ =	strace $0xD0000000  }
0x3: {  	_ = 	snop  }
0x4: {  	_ = 	snop  }
0x5: {  	_ = 	snop  }
0x6: {  	_ = 	snop  }
0x7: {  	_ = 	snop  }
__scs_overlays_trampoline_lowered:
0x8: {  	[smem:$0x3FAF] =	sst s0  }
0x9: {  	[smem:$0x3FB0] =	sst s1  }
0xa: {  	[smem:$0x3FB1] =	sst s2  }
0xb: {  	[smem:$0x3FB2] =	sst s3  }
0xc: {  	[smem:$0x3FB3] =	sst s4  }
0xd: {  	[smem:$0x3FB4] =	sst s5  }
0xe: {  	[smem:$0x3FB5] =	sst s6  }
0xf: {  	[smem:$0x3FB6] =	sst s7  }
0x10: {  	[smem:$0x3FB7] =	sst s8  }
0x11: {  	[smem:$0x3FB8] =	sst s9;
	s0 =	simm.s32 @!p0 $0x0  }
0x12: {  	s1 =	sld [smem:$0x3F9E];
	s0 =	simm.s32 @p0 $0x1  }
0x13: {  	[smem:$0x3FB9] =	sst s0;
	s0 =	simm.s32 @!p1 $0x0  }
0x14: {  	s2 =	sld [smem:$0x3F9D];
	s0 =	simm.s32 @p1 $0x1  }
0x15: {  	[smem:$0x3FBA] =	sst s0;
	s0 =	simm.s32 @!p2 $0x0  }
0x16: {  	s3 =	sld [smem:$0x3FDB];
	s0 =	simm.s32 @p2 $0x1  }
0x17: {  	s4 =	simm.s32 $0x1BF5;
	[smem:$0x3FBC] =	sst s0  }
0x18: {  	s0 =	sld [smem:$0x3F9F];
	_ =	swait.ge [sflag:s4], $0x0  }
0x19: {  	s7 =	sld [smem:$0x3FA0]  }
0x1a: {  	s8 =	sadd.s32 $0xFFFFE003, lr  }
0x1b: {  	s9 =	sadd.s32 $0xFFFFFEF7, lr;
	s5 =	simm.s32 $0xFFFFFFFF;
	p2 =	slt.u32 s8, $0xFFFFF086  }
0x1c: {  	p1 =	slt.u32 s9, $0xF7A;
	s5 =	simm.s32 @!p2 $0x0  }
0x1d: {  	s5 =	simm.s32 @p1 $0x1;
	p0 =	seq.s32 s7, s2  }
0x1e: {  	s7 =	smul.u32 @!p0 $0xF7A, s2;
	p2 =	seq.s32 @!p0 s5, $0x0  }
0x1f: {  	s9 =	smul.u32 $0xF7A, s1;
	s8 =	simm.s32 @!p0 $0x1BF5;
	p2 =	por !p2, p0  }
0x20: {  	[sflag:s8] =	ssyncset.s32 @!p0 $0xFFFFF086;
	s6 =	sadd.s32 @!p0 s3, s7;
	s7 =	simm.s32 @!p0 $0x108  }
0x21: {  	s3 =	sadd.s32 s3, s9;
	s6 =	sadd.s32 @!p0 $0x88, s6;
	s7 =	simm.s32 @p2 $0x1082  }
0x22: {  	[simem:s7], [sflag:s8] =	dma.local @!p0 [hbm:s6], $0xF7A  }
0x23: {  	s9 =	sor.u32 $0xD0000000, s2;
	s6 =	simm.s32 $0x108;
	_ =	swait.ge @!p0 [sflag:s8], $0x0  }
0x24: {  	s3 =	sadd.s32 $0x88, s3;
	s6 =	simm.s32 @!p1 $0x1082;
	[sflag:s4] =	ssyncset.s32 $0xFFFFF086  }
0x25: {  	[simem:s6], [sflag:s4] =	dma.local [hbm:s3], $0xF7A  }
0x26: {  	[smem:$0x3FA0] =	sst s1;
	(tag) =	ssettag s2;
	_ =	strace s9  }
0x27: {  	s1 =	sld [smem:$0x3FB0]  }
0x28: {  	s2 =	sld [smem:$0x3FB1]  }
0x29: {  	s4 =	sld [smem:$0x3FB3]  }
0x2a: {  	p0 =	seq.s32 s5, $0x0;
	s5 =	sld [smem:$0x3FB4]  }
0x2b: {  	s6 =	sld [smem:$0x3FB5]  }
0x2c: {  	s7 =	sld [smem:$0x3FB6]  }
0x2d: {  	s3 =	simm.s32 $0x108;
	s8 =	sld [smem:$0x3FB7]  }
0x2e: {  	s3 =	simm.s32 @!p0 $0x1082;
	s9 =	sld [smem:$0x3FB8]  }
0x2f: {  	lr =	sadd.s32 s0, s3;
	s0 =	sld [smem:$0x3FAF]  }
0x30: {  	s3 =	sld [smem:$0x3FB2]  }
0x31: {  	[smem:$0x3FBB] =	sst s10  }
0x32: {  	s10 =	sld [smem:$0x3FB9];
	_ =	sdelay $0x3  }
0x33: {  	p0 =	seq.s32 s10, $0x1;
	s10 =	sld [smem:$0x3FBB];
	_ =	sdelay $0x3  }
0x34: {  	[smem:$0x3FBB] =	sst s10  }
0x35: {  	s10 =	sld [smem:$0x3FBA];
	_ =	sdelay $0x3  }
0x36: {  	p1 =	seq.s32 s10, $0x1;
	s10 =	sld [smem:$0x3FBB];
	_ =	sdelay $0x3  }
0x37: {  	[smem:$0x3FBB] =	sst s10  }
0x38: {  	s10 =	sld [smem:$0x3FBC]  }
0x39: {  	_ = 	snop;
	(pc) =	sbr.ind lr, $3  }
0x3a: {  	_ = 	snop  }
0x3b: {  	_ = 	snop  }
0x3c: {  	p2 =	seq.s32 s10, $0x1;
	s10 =	sld [smem:$0x3FBB]  }
0x3d: {  	_ =	shalt  }
0x3e: {  	_ =	shalt  }
0x3f: {  	_ =	shalt  }
0x40: {  	_ =	shalt  }
0x41: {  	_ =	shalt  }
0x42: {  	_ =	shalt  }
0x43: {  	_ =	shalt  }
0x44: {  	_ =	shalt  }
0x45: {  	_ =	shalt  }
0x46: {  	_ =	shalt  }
0x47: {  	_ =	shalt  }
0x48: {  	_ =	shalt  }
0x49: {  	_ =	shalt  }
0x4a: {  	_ =	shalt  }
0x4b: {  	_ =	shalt  }
0x4c: {  	_ =	shalt  }
0x4d: {  	_ =	shalt  }
0x4e: {  	_ =	shalt  }
0x4f: {  	_ =	shalt  }
0x50: {  	_ =	shalt  }
0x51: {  	_ =	shalt  }
0x52: {  	_ =	shalt  }
0x53: {  	_ =	shalt  }
0x54: {  	_ =	shalt  }
0x55: {  	_ =	shalt  }
0x56: {  	_ =	shalt  }
0x57: {  	_ =	shalt  }
0x58: {  	_ =	shalt  }
0x59: {  	_ =	shalt  }
0x5a: {  	_ =	shalt  }
0x5b: {  	_ =	shalt  }
0x5c: {  	_ =	shalt  }
0x5d: {  	_ =	shalt  }
0x5e: {  	_ =	shalt  }
0x5f: {  	_ =	shalt  }
0x60: {  	_ =	shalt  }
0x61: {  	_ =	shalt  }
0x62: {  	_ =	shalt  }
0x63: {  	_ =	shalt  }
0x64: {  	_ =	shalt  }
0x65: {  	_ =	shalt  }
0x66: {  	_ =	shalt  }
0x67: {  	_ =	shalt  }
0x68: {  	_ =	shalt  }
0x69: {  	_ =	shalt  }
0x6a: {  	_ =	shalt  }
0x6b: {  	_ =	shalt  }
0x6c: {  	_ =	shalt  }
0x6d: {  	_ =	shalt  }
0x6e: {  	_ =	shalt  }
0x6f: {  	_ =	shalt  }
0x70: {  	_ =	shalt  }
0x71: {  	_ =	shalt  }
0x72: {  	_ =	shalt  }
0x73: {  	_ =	shalt  }
0x74: {  	_ =	shalt  }
0x75: {  	_ =	shalt  }
0x76: {  	_ =	shalt  }
0x77: {  	_ =	shalt  }
0x78: {  	_ =	shalt  }
0x79: {  	_ =	shalt  }
0x7a: {  	_ =	shalt  }
0x7b: {  	_ =	shalt  }
0x7c: {  	_ =	shalt  }
0x7d: {  	_ =	shalt  }
0x7e: {  	_ =	shalt  }
0x7f: {  	_ =	shalt  }
0x80: {  	_ =	shalt  }
0x81: {  	_ =	shalt  }
0x82: {  	_ =	shalt  }
0x83: {  	_ =	shalt  }
0x84: {  	_ =	shalt  }
0x85: {  	_ =	shalt  }
0x86: {  	_ =	shalt  }
0x87: {  	_ =	shalt  }
.Lfunc_end0:
.L_simem_size_0:
called_computation_lowered:
.L_overlay_start_0:
0x88: {  	s2 =	sld [smem:$0x3FD9]  }
0x89: {  	s3 =	sld [smem:$0x3FFE];
	_ =	sdelay $0x1  }
0x8a: {  	s1 =	srdreg.scid  }
0x8b: {  	s0 =	sand.u32 $0x1, s1  }
0x8c: {  	s16 =	sshll.u32 s0, $0xA;
	s2 =	sadd.s32 s3, s2  }
0x8d: {  	s2 =	sadd.s32 s2, s16  }
0x8e: {  	[smem:$0x3FC7] =	sst s2  }
0x8f: {  	_ = 	snop  }
0x90: {  	(tm) =	ssettm $0x1  }
0x91: {  	s17 =	sld [smem:$0x3FFB];
	_ =	sdelay $0x3  }
0x92: {  	_ =	strace s17  }
0x93: {  	s2 =	sld [smem:$0x3FFC];
	_ =	sdelay $0x3  }
0x94: {  	_ =	strace s2  }
0x95: {  	s2 =	sld [smem:$0x3FFD];
	_ =	sdelay $0x3  }
0x96: {  	_ =	strace s2  }
0x97: {  	_ =	strace $0x8FFFFFFF  }
0x98: {  	s18 =	sld [smem:$0x3FDB];
	_ =	sdelay $0x1  }
0x99: {  	s19 =	simm.s32 $_scs_section_size  }
0x9a: {  	s4 =	simm.s32 $_size__tile_overlayer_lowered;
	s5 =	simm.s32 $_tile_overlayer_lowered  }
0x9b: {  	s22 =	simm.s32 $0x1BFF;
	s21 =	sshll.u32 s5, $0x1;
	s2 =	sadd.s32 s19, s18  }
0x9c: {  	s6 =	simm.s32 $0x0;
	s20 =	sshll.u32 s4, $0x1;
	s4 =	sadd.s32 s21, s2  }
0x9d: {  	[timem:s6], [sflag:s22] =	dma.local [hbm:s4], s20  }
0x9e: {  	_ =	swait.ge [sflag:s22], s20  }
0x9f: {  	s3 =	ssub.s32 $0x0, s20;
	[sflag:s22] =	ssyncset.done $0x0  }
0xa0: {  	[sflag:s22] =	ssyncadd.s32 s3;
	_ =	sdelay $0x1  }
0xa1: {  	s23 =	simm.s32 $0x1B8B  }
0xa2: {  	_ =	swait.ge [sflag:s23], $0x1  }
0xa3: {  	[sflag:s23] =	ssyncset.done $0x0  }
0xa4: {  	s25 =	simm.s32 $0x1B8E;
	s24 =	sld [smem:$0x3FFE];
	[sflag:s23] =	ssyncadd.s32 $0xFFFFFFFF  }
0xa5: {  	s26 =	simm.s32 $execute0_lowered;
	[smem:$0x3FD2] =	sst s25  }
0xa6: {  	s4 =	sshll.u32 s26, $0x1;
	_ =	strace $0x80000046;
	[dreg:$0x1] =	wrdreg $0xFFFFFFFF  }
0xa7: {  	s28 =	simm.s32 $_size_execute0_lowered;
	s2 =	sadd.s32 s2, s4;
	[dreg:$0x0] =	wrdreg $0x0  }
0xa8: {  	s4 =	sshll.u32 s28, $0x1;
	[dreg:$0x2] =	wrdreg s2  }
0xa9: {  	[dreg:$0x3] =	wrdreg s4  }
0xaa: {  	[dreg:$0x4] =	wrdreg $0xC0  }
0xab: {  	_ =	task [dreg:s6], $0x5FFFF  }
0xac: {  	[dreg:$0x1] =	wrdreg $0xFFFFFFFF  }
0xad: {  	[dreg:$0x0] =	wrdreg $0x60  }
0xae: {  	[dreg:$0x2] =	wrdreg s24  }
0xaf: {  	[dreg:$0x3] =	wrdreg $0x9  }
0xb0: {  	_ =	task.clear_ibuf [dreg:s6], $0x4FFFF;
	_ =	strace $0x90000046  }
0xb1: {  	s29 =	simm.s32 $0x9;
	_ =	strace $0x80000048  }
0xb2: {  	_ =	swait.ge [sflag:s29], $0x1  }
0xb3: {  	[sflag:s29] =	ssyncadd.s32 $0xFFFFFFFF  }
0xb4: {  	_ =	strace $0x90000048  }
0xb5: {  	_ =	sfence  }
0xb6: {  	s30 =	sld [smem:$0x0];
	_ =	sdelay $0x2  }
0xb7: {  	s31 =	sshll.u32 s1, $0xD;
	s1 =	sshrl.u32 s1, $0x2  }
0xb8: {  	s3 =	sand.u32 $0x4000, s31;
	s1 =	sadd.s32 s1, s30  }
0xb9: {  	s0 =	sor.u32 s3, s0;
	s1 =	sshll.u32 s1, $0x11  }
0xba: {  	s0 =	sor.u32 s1, s0  }
0xbb: {  	s0 =	sadd.s32 $0x8F2B, s0  }
0xbc: {  	[sflag:s0] =	ssyncadd.remote.s32 $0x1  }
0xbd: {  	_ =	sfence.sel $0xFFFF  }
0xbe: {  	[dreg:$0x0] =	wrdreg $0xFFFFFFFF;
	(pc) =	sbr.abs _section_cstart, $3  }
0xbf: {  	[dreg:$0x1] =	wrdreg $0xFFFFFFFF  }
0xc0: {  	_ =	task.clear_ibuf [dreg:s6], $0x2FFFF;
	_ =	strace $0x9FFFFFFF  }
0xc1: {  	(tm) =	ssettm $0x7FFFFFFF  }
tec
execute0_lowered:
.L_overlay_start_1:
0x0: {  	(tag) =	ssettag $0x1  }
0x1: {  	s5 =	rddreg [dreg:$0x0];
	s1 =	simm.s32 $0x0  }
0x2: {  	[smem:$0x7FF] =	sst s1  }
0x3: {  	s0 =	rddreg [dreg:$0x1];
	v0 =	vimm.f32 $3.000000000e+00;
	_ =	strace $0x80000047  }
0x4: {  	(erf) = vrcp.f32 v0  }
0x5: {  	s3 =	srdreg.scid;
	s2 =	stileid.u32;
	s12 =	simm.s32 $0x2000  }
0x6: {  	s13 =	simm.s32 $0x3000;
	s14 =	simm.s32 $0x4000;
	s15 =	simm.s32 $0x0  }
0x7: {  	s7 =	sand.u32 $0x1, s3;
	s4 =	sshll.u32 s2, $0x1;
	s3 =	sadd.s32 $0xC00, s5  }
0x8: {  	s10 =	sshll.u32 s2, $0x8;
	s4 =	sor.u32 s7, s4;
	s8 =	ssub.s32 $0x2, s7  }
0x9: {  	s11 =	sshll.u32 s7, $0x7;
	s6 =	sshll.u32 s4, $0x9;
	s4 =	sshll.u32 s4, $0x8  }
0xa: {  	s31 =	sshrl.u32 s8, $0x1;
	v0 =	vlaneseq.u32;
	s6 =	sadd.s32 s6, s5;
	s9 =	sadd.s32 s4, s5  }
0xb: {  	s8 =	ssub.s32 s8, s31;
	s4 =	sadd.s32 $0xE00, s5;
	s5 =	sadd.s32 $0x1000, s5;
	v1 =	vmul.u32 $0xFFFFFFFF, v0  }
0xc: {  	vm0 =	vcmask $0x704;
	s6 =	sadd.s32 $0x1200, s6;
	s7 =	sadd.s32 $0x5200, s9;
	s8 =	smax.u32 s8, $0x1  }
0xd: {  	vm1 =	vcmask $0x3F04;
	vm2 =	vmmov $0x7;
	s9 =	sor.u32 s11, s10;
	s10 =	simm.s32 $0x1;
	s11 =	simm.s32 $0x1000;
	v1 =	vadd.s32 $0xF, v1;
	v0 =	vpop (erf)  }
.LBB2_1:
0xe: {  	[tilespmem:s1], [sflag:$0x1] =	stream.linear.gather [hbm4b:s3+s1], $0x1000, $0x38;
	[tilespmem:$0x4800] =	vst v63  }
0xf: {  	_ =	swait.ge [sflag:s10], $0x1000  }
0x10: {  	[sflag:s10] =	ssyncset.done $0x0  }
0x11: {  	[sflag:s10] =	ssyncadd.s32 $0xFFFFF000  }
0x12: {  	[tilespmem:s11], [sflag:$0x1] =	stream.linear.gather [hbm4b:s4+s1], $0x1000, $0x38;
	[tilespmem:$0x4800] =	vst v63  }
0x13: {  	_ =	swait.ge [sflag:s10], $0x1000  }
0x14: {  	[sflag:s10] =	ssyncset.done $0x0  }
0x15: {  	[sflag:s10] =	ssyncadd.s32 $0xFFFFF000  }
0x16: {  	[tilespmem:s12], [sflag:$0x1] =	stream.linear.gather [hbm4b:s5+s1], $0x1000, $0x38;
	[tilespmem:$0x4800] =	vst v63  }
0x17: {  	_ =	swait.ge [sflag:s10], $0x1000  }
0x18: {  	[sflag:s10] =	ssyncset.done $0x0  }
0x19: {  	[sflag:s10] =	ssyncadd.s32 $0xFFFFF000  }
0x1a: {  	[tilespmem:s13], [sflag:$0x1] =	stream.linear.gather [hbm4b:s6+s1], $0x1000, $0x38;
	[tilespmem:$0x4800] =	vst v63  }
0x1b: {  	_ =	swait.ge [sflag:s10], $0x1000  }
0x1c: {  	[sflag:s10] =	ssyncset.done $0x0  }
0x1d: {  	s16 =	simm.s32 $0x3010;
	[sflag:s10] =	ssyncadd.s32 $0xFFFFF000  }
0x1e: {  	v2 =	vld [tilespmem:s16+$0x0]  }
0x1f: {  	v3 =	vld [tilespmem:s16+$0xFFFFFFF0];
	_ =	sdelay $0x6  }
0x20: {  	v4 =	vld.idx.msk [tilespmem:v2+s1+$0x0], $0xffff  }
0x21: {  	v5 =	vld.idx.msk [tilespmem:v3+s1+$0x0], $0xffff  }
0x22: {  	v6 =	vld.idx.msk [tilespmem:v2+s11+$0x0], $0xffff  }
0x23: {  	v7 =	vld.idx.msk [tilespmem:v3+s11+$0x0], $0xffff  }
0x24: {  	v8 =	vld.idx.msk [tilespmem:v2+s12+$0x0], $0xffff  }
0x25: {  	v9 =	vld.idx.msk [tilespmem:v3+s12+$0x0], $0xffff;
	_ =	sdelay $0x1  }
0x26: {  	v10 =	vadd.f32 v4, v5;
	_ =	sdelay $0x1  }
0x27: {  	v47 =	vadd.f32 v6, v7;
	(xrf2) =	vadd.scan.msk.f32 $0xffff, v10  }
0x28: {  	v11 =	vadd.f32 v8, v9  }
0x29: {  	(xrf2) =	vadd.scan.msk.f32 $0xffff, v47  }
0x2a: {  	(xrf2) =	vadd.scan.msk.f32 $0xffff, v11;
	_ =	sdelay $0x6  }
0x2b: {  	v48, _, _ =	vpop (xrf2)  }
0x2c: {  	v10 =	vmul.f32 $3.125000000e-02, v48  }
0x2d: {  	v49, _, _ =	vpop (xrf2)  }
0x2e: {  	v11 =	vmul.f32 $3.125000000e-02, v49;
	v12, _, _ =	vpop (xrf2);
	v10 =	vbroadcast v10, $0xF  }
0x2f: {  	v12 =	vmul.f32 $3.125000000e-02, v12  }
0x30: {  	v11 =	vbroadcast v11, $0xF;
	v13 =	vsub.f32 v5, v10  }
0x31: {  	v10 =	vsub.f32 v4, v10;
	v12 =	vbroadcast v12, $0xF  }
0x32: {  	v14 =	vsub.f32 v7, v11;
	v11 =	vsub.f32 v6, v11;
	v13 =	vmul.f32 v13, v13  }
0x33: {  	v10 =	vmul.f32 v10, v10;
	v15 =	vsub.f32 v9, v12;
	v12 =	vsub.f32 v8, v12  }
0x34: {  	v14 =	vmul.f32 v14, v14;
	v11 =	vmul.f32 v11, v11  }
0x35: {  	v16 =	vadd.f32 v10, v13;
	v15 =	vmul.f32 v15, v15;
	v12 =	vmul.f32 v12, v12  }
0x36: {  	v17 =	vadd.f32 v11, v14  }
0x37: {  	(xrf2) =	vadd.scan.msk.f32 $0xffff, v16;
	v50 =	vadd.f32 v12, v15  }
0x38: {  	(xrf2) =	vadd.scan.msk.f32 $0xffff, v17  }
0x39: {  	(xrf2) =	vadd.scan.msk.f32 $0xffff, v50;
	_ =	sdelay $0x7  }
0x3a: {  	v51, _, _ =	vpop (xrf2)  }
0x3b: {  	v17, _, _ =	vpop (xrf2)  }
0x3c: {  	v18, _, _ =	vpop (xrf2)  }
0x3d: {  	v17 =	vbroadcast v17, $0xF;
	v18 =	vbroadcast v18, $0xF  }
0x3e: {  	v16 =	vbroadcast v51, $0xF  }
0x3f: {  	v17 =	vsel vm0, v17, v18  }
0x40: {  	v16 =	vsel vm1, v17, v16  }
0x41: {  	v16 =	vmul.f32 $3.225806360e-02, v16;
	_ =	sdelay $0x1  }
0x42: {  	v52 =	vshra.s32 v16, $0x1  }
0x43: {  	v17 =	vadd.s32 $0x1FBD1DF5, v52  }
0x44: {  	(erf) = vrcp.f32 v17;
	_ =	sdelay $0x8  }
0x45: {  	v53 =	vpop (erf)  }
0x46: {  	v18 =	vmul.f32 v53, v16;
	_ =	sdelay $0x1  }
0x47: {  	v17 =	vadd.f32 v17, v18;
	_ =	sdelay $0x1  }
0x48: {  	v17 =	vmul.f32 $5.000000000e-01, v17;
	_ =	sdelay $0x1  }
0x49: {  	(erf) = vrcp.f32 v17;
	_ =	sdelay $0x8  }
0x4a: {  	v54 =	vpop (erf)  }
0x4b: {  	v18 =	vmul.f32 v54, v16;
	_ =	sdelay $0x1  }
0x4c: {  	v17 =	vadd.f32 v18, v17;
	_ =	sdelay $0x1  }
0x4d: {  	v17 =	vmul.f32 $5.000000000e-01, v17;
	_ =	sdelay $0x1  }
0x4e: {  	(erf) = vrcp.f32 v17;
	_ =	sdelay $0x8  }
0x4f: {  	v55 =	vpop (erf)  }
0x50: {  	v18 =	vmul.f32 v55, v16;
	_ =	sdelay $0x1  }
0x51: {  	v17 =	vadd.f32 v18, v17;
	_ =	sdelay $0x1  }
0x52: {  	v17 =	vmul.f32 $5.000000000e-01, v17;
	_ =	sdelay $0x1  }
0x53: {  	(erf) = vrcp.f32 v17;
	_ =	sdelay $0x8  }
0x54: {  	v56 =	vpop (erf)  }
0x55: {  	v16 =	vmul.f32 v56, v16;
	_ =	sdelay $0x1  }
0x56: {  	v16 =	vadd.f32 v16, v17;
	_ =	sdelay $0x1  }
0x57: {  	v16 =	vmul.f32 $5.000000000e-01, v16;
	_ =	sdelay $0x1  }
0x58: {  	v16 =	vadd.f32 $9.999999970e-07, v16;
	_ =	sdelay $0x1  }
0x59: {  	v16 =	vnsel vm2, $0x0, v16  }
0x5a: {  	(xrf2) =	vadd.scan.msk.f32 $0xffff, v16;
	_ =	sdelay $0x9  }
0x5b: {  	v16, _, _ =	vpop (xrf2)  }
0x5c: {  	v16 =	vbroadcast v16, $0xF;
	_ =	sdelay $0x1  }
0x5d: {  	v16 =	vmul.f32 v16, v0;
	_ =	sdelay $0x1  }
0x5e: {  	(erf) = vrcp.f32 v16;
	_ =	sdelay $0x3  }
0x5f: {  	v57 =	vmov s9;
	v10 =	vadd.f32 v11, v10;
	_ =	sdelay $0x1  }
0x60: {  	v58 =	vadd.f32 v14, v13;
	v10 =	vadd.f32 v12, v10;
	_ =	sdelay $0x1  }
0x61: {  	v11 =	vadd.f32 v15, v58;
	v10 =	vsub.f32 $0.0e+00, v10  }
0x62: {  	v59 =	vld.idx.msk [tilespmem:v57+s11+$0x0], $0xffff;
	v60 =	vpop (erf)  }
0x63: {  	v61 =	vld.idx.msk [tilespmem:v57+s1+$0x0], $0xffff;
	v11 =	vsub.f32 $0.0e+00, v11;
	v10 =	vmul.f32 v60, v10;
	_ =	sdelay $0x1  }
0x64: {  	v62 =	vld.idx.msk [tilespmem:v57+s12+$0x0], $0xffff;
	v11 =	vmul.f32 v60, v11;
	v10 =	vmul.f32 $1.442695020e+00, v10;
	_ =	sdelay $0x1  }
0x65: {  	v11 =	vmul.f32 $1.442695020e+00, v11;
	(erf) = vpow2.f32 v10  }
0x66: {  	v4 =	vsub.f32 v4, v61;
	v6 =	vsub.f32 v6, v59  }
0x67: {  	(erf) = vpow2.f32 v11  }
0x68: {  	v8 =	vsub.f32 v8, v62;
	v4 =	vmul.f32 v4, v4;
	v6 =	vmul.f32 v6, v6  }
0x69: {  	v5 =	vsub.f32 v5, v61;
	v7 =	vsub.f32 v7, v59  }
0x6a: {  	v4 =	vadd.f32 v6, v4;
	v6 =	vmul.f32 v8, v8  }
0x6b: {  	v63 =	vsub.f32 v9, v62;
	v5 =	vmul.f32 v5, v5;
	v7 =	vmul.f32 v7, v7;
	_ =	sdelay $0x1  }
0x6c: {  	v5 =	vadd.f32 v7, v5;
	v7 =	vmul.f32 v63, v63;
	v4 =	vadd.f32 v6, v4  }
0x6d: {  	v6 =	vpop (erf)  }
0x6e: {  	v5 =	vadd.f32 v7, v5;
	v4 =	vmul.f32 v6, v4  }
0x6f: {  	v6 =	vpop (erf)  }
0x70: {  	v5 =	vmul.f32 v6, v5;
	(xrf1) =	vsort.ascd.msk.f32 $0xffff, v4, v2;
	_ =	sdelay $0x1  }
0x71: {  	(xrf1) =	vsort.ascd.msk.f32 $0xffff, v5, v3;
	_ =	sdelay $0xb  }
0x72: {  	v2, v3, _ =	vpop (xrf1)  }
0x73: {  	v2 =	vperm.xlane v2, v1  }
0x74: {  	v3 =	vperm.xlane v3, v1;
	v4, v5, _ =	vpop (xrf1)  }
0x75: {  	vm3 =	vle.f32 v4, v2  }
0x76: {  	v2 =	vsel vm3, v4, v2;
	v3 =	vsel vm3, v5, v3  }
0x77: {  	(xrf1) =	vsort.ascd.msk.f32 $0xffff, v2, v3;
	_ =	sdelay $0xd  }
0x78: {  	s31 =	simm.s32 $0x0;
	_, v2, _ =	vpop (xrf1)  }
0x79: {  	s18 =	simm.s32 $0x3030;
	[tilespmem:s31+$0x4000] =	vst v2  }
0x7a: {  	v3 =	vld [tilespmem:s18+$0x0]  }
0x7b: {  	v2 =	vld [tilespmem:s18+$0xFFFFFFF0];
	_ =	sdelay $0x6  }
0x7c: {  	s19 =	simm.s32 $0x80;
	s17 =	smov.u32 s9;
	s16 =	simm.s32 $0x40;
	v4 =	vld.idx.msk [tilespmem:v3+s1+$0x0], $0xffff  }
.LBB2_2:
0x7d: {  	p0 =	sne.s32 s19, $0x1FC0;
	v5 =	vld.idx.msk [tilespmem:v2+s1+$0x0], $0xffff;
	_ =	sdelay $0x1  }
0x7e: {  	v8 =	vld.idx.msk [tilespmem:v3+s11+$0x0], $0xffff  }
0x7f: {  	v6 =	vld.idx.msk [tilespmem:v2+s11+$0x0], $0xffff;
	_ =	sdelay $0x1  }
0x80: {  	v9 =	vld.idx.msk [tilespmem:v3+s12+$0x0], $0xffff  }
0x81: {  	v10 =	vadd.f32 v4, v5;
	v7 =	vld.idx.msk [tilespmem:v2+s12+$0x0], $0xffff;
	_ =	sdelay $0x1  }
0x82: {  	(xrf2) =	vadd.scan.msk.f32 $0xffff, v10  }
0x83: {  	v10 =	vadd.f32 v8, v6;
	_ =	sdelay $0x1  }
0x84: {  	(xrf2) =	vadd.scan.msk.f32 $0xffff, v10  }
0x85: {  	v10 =	vadd.f32 v9, v7;
	_ =	sdelay $0x1  }
0x86: {  	(xrf2) =	vadd.scan.msk.f32 $0xffff, v10;
	_ =	sdelay $0x3  }
0x87: {  	v10, _, _ =	vpop (xrf2);
	_ =	sdelay $0x1  }
0x88: {  	v10 =	vmul.f32 $3.125000000e-02, v10  }
0x89: {  	v11, _, _ =	vpop (xrf2)  }
0x8a: {  	v14 =	vbroadcast v10, $0xF  }
0x8b: {  	v11 =	vmul.f32 $3.125000000e-02, v11  }
0x8c: {  	v12 =	vsub.f32 v5, v14;
	v13 =	vsub.f32 v4, v14;
	v10, _, _ =	vpop (xrf2)  }
0x8d: {  	v14 =	vbroadcast v11, $0xF;
	v15 =	vmul.f32 $3.125000000e-02, v10  }
0x8e: {  	v10 =	vmul.f32 v12, v12;
	v11 =	vmul.f32 v13, v13  }
0x8f: {  	v12 =	vsub.f32 v6, v14;
	v13 =	vsub.f32 v8, v14  }
0x90: {  	v14 =	vbroadcast v15, $0xF;
	v15 =	vadd.f32 v11, v10  }
0x91: {  	v12 =	vmul.f32 v12, v12;
	v13 =	vmul.f32 v13, v13  }
0x92: {  	v16 =	vsub.f32 v7, v14;
	v17 =	vsub.f32 v9, v14;
	(xrf2) =	vadd.scan.msk.f32 $0xffff, v15  }
0x93: {  	v18 =	vadd.f32 v13, v12  }
0x94: {  	v14 =	vmul.f32 v16, v16;
	v15 =	vmul.f32 v17, v17  }
0x95: {  	(xrf2) =	vadd.scan.msk.f32 $0xffff, v18  }
0x96: {  	v16 =	vadd.f32 v15, v14;
	_ =	sdelay $0x1  }
0x97: {  	(xrf2) =	vadd.scan.msk.f32 $0xffff, v16;
	_ =	sdelay $0x3  }
0x98: {  	v16, _, _ =	vpop (xrf2);
	_ =	sdelay $0x2  }
0x99: {  	v17, _, _ =	vpop (xrf2);
	_ =	sdelay $0x2  }
0x9a: {  	v18, _, _ =	vpop (xrf2)  }
0x9b: {  	v17 =	vbroadcast v17, $0xF;
	v18 =	vbroadcast v18, $0xF  }
0x9c: {  	v16 =	vbroadcast v16, $0xF  }
0x9d: {  	v17 =	vsel vm0, v17, v18  }
0x9e: {  	v16 =	vsel vm1, v17, v16  }
0x9f: {  	v16 =	vmul.f32 $3.225806360e-02, v16;
	_ =	sdelay $0x1  }
0xa0: {  	v17 =	vshra.s32 v16, $0x1  }
0xa1: {  	v17 =	vadd.s32 $0x1FBD1DF5, v17  }
0xa2: {  	(erf) = vrcp.f32 v17;
	_ =	sdelay $0x8  }
0xa3: {  	v18 =	vpop (erf)  }
0xa4: {  	v18 =	vmul.f32 v18, v16;
	_ =	sdelay $0x1  }
0xa5: {  	v17 =	vadd.f32 v17, v18;
	_ =	sdelay $0x1  }
0xa6: {  	v17 =	vmul.f32 $5.000000000e-01, v17;
	_ =	sdelay $0x1  }
0xa7: {  	(erf) = vrcp.f32 v17;
	_ =	sdelay $0x8  }
0xa8: {  	v18 =	vpop (erf)  }
0xa9: {  	v18 =	vmul.f32 v18, v16;
	_ =	sdelay $0x1  }
0xaa: {  	v17 =	vadd.f32 v18, v17;
	_ =	sdelay $0x1  }
0xab: {  	v17 =	vmul.f32 $5.000000000e-01, v17;
	_ =	sdelay $0x1  }
0xac: {  	(erf) = vrcp.f32 v17;
	_ =	sdelay $0x8  }
0xad: {  	v18 =	vpop (erf)  }
0xae: {  	v18 =	vmul.f32 v18, v16;
	_ =	sdelay $0x1  }
0xaf: {  	v17 =	vadd.f32 v18, v17;
	_ =	sdelay $0x1  }
0xb0: {  	v17 =	vmul.f32 $5.000000000e-01, v17;
	_ =	sdelay $0x1  }
0xb1: {  	(erf) = vrcp.f32 v17;
	_ =	sdelay $0x8  }
0xb2: {  	v18 =	vpop (erf)  }
0xb3: {  	v16 =	vmul.f32 v18, v16;
	_ =	sdelay $0x1  }
0xb4: {  	v16 =	vadd.f32 v16, v17;
	_ =	sdelay $0x1  }
0xb5: {  	v16 =	vmul.f32 $5.000000000e-01, v16;
	_ =	sdelay $0x1  }
0xb6: {  	v16 =	vadd.f32 $9.999999970e-07, v16;
	_ =	sdelay $0x1  }
0xb7: {  	v16 =	vnsel vm2, $0x0, v16  }
0xb8: {  	(xrf2) =	vadd.scan.msk.f32 $0xffff, v16;
	_ =	sdelay $0x9  }
0xb9: {  	v16, _, _ =	vpop (xrf2)  }
0xba: {  	v16 =	vbroadcast v16, $0xF;
	_ =	sdelay $0x1  }
0xbb: {  	v16 =	vmul.f32 v16, v0;
	_ =	sdelay $0x1  }
0xbc: {  	(erf) = vrcp.f32 v16;
	_ =	sdelay $0x1  }
0xbd: {  	s17 =	sadd.s32 $0x1, s17  }
0xbe: {  	v16 =	vmov s17  }
0xbf: {  	v11 =	vadd.f32 v13, v11;
	_ =	sdelay $0x1  }
0xc0: {  	v10 =	vadd.f32 v12, v10;
	v11 =	vadd.f32 v15, v11;
	_ =	sdelay $0x1  }
0xc1: {  	v10 =	vadd.f32 v14, v10;
	v11 =	vsub.f32 $0.0e+00, v11;
	v12 =	vld.idx.msk [tilespmem:v16+s11+$0x0], $0xffff  }
0xc2: {  	v13 =	vld.idx.msk [tilespmem:v16+s1+$0x0], $0xffff;
	v14 =	vpop (erf)  }
0xc3: {  	v10 =	vsub.f32 $0.0e+00, v10;
	v11 =	vmul.f32 v14, v11  }
0xc4: {  	v15 =	vld.idx.msk [tilespmem:v16+s12+$0x0], $0xffff  }
0xc5: {  	v10 =	vmul.f32 v14, v10;
	v11 =	vmul.f32 $1.442695020e+00, v11;
	_ =	sdelay $0x1  }
0xc6: {  	v10 =	vmul.f32 $1.442695020e+00, v10;
	(erf) = vpow2.f32 v11  }
0xc7: {  	v8 =	vsub.f32 v8, v12;
	v4 =	vsub.f32 v4, v13  }
0xc8: {  	(erf) = vpow2.f32 v10  }
0xc9: {  	v8 =	vmul.f32 v8, v8;
	v9 =	vsub.f32 v9, v15;
	v4 =	vmul.f32 v4, v4  }
0xca: {  	v6 =	vsub.f32 v6, v12;
	v5 =	vsub.f32 v5, v13  }
0xcb: {  	v4 =	vadd.f32 v8, v4;
	v8 =	vmul.f32 v9, v9  }
0xcc: {  	v6 =	vmul.f32 v6, v6;
	v5 =	vmul.f32 v5, v5;
	v9 =	vsub.f32 v7, v15;
	_ =	sdelay $0x1  }
0xcd: {  	v5 =	vadd.f32 v6, v5;
	v9 =	vmul.f32 v9, v9;
	v4 =	vadd.f32 v8, v4  }
0xce: {  	v7 =	vpop (erf)  }
0xcf: {  	v5 =	vadd.f32 v9, v5;
	v4 =	vmul.f32 v7, v4  }
0xd0: {  	v6 =	vpop (erf)  }
0xd1: {  	v5 =	vmul.f32 v6, v5;
	(xrf1) =	vsort.ascd.msk.f32 $0xffff, v4, v3;
	_ =	sdelay $0x1  }
0xd2: {  	(xrf1) =	vsort.ascd.msk.f32 $0xffff, v5, v2;
	_ =	sdelay $0xb  }
0xd3: {  	v2, v3, _ =	vpop (xrf1)  }
0xd4: {  	v2 =	vperm.xlane v2, v1  }
0xd5: {  	v3 =	vperm.xlane v3, v1;
	v4, v5, _ =	vpop (xrf1)  }
0xd6: {  	vm3 =	vle.f32 v4, v2  }
0xd7: {  	v2 =	vsel vm3, v4, v2;
	v3 =	vsel vm3, v5, v3  }
0xd8: {  	(xrf1) =	vsort.ascd.msk.f32 $0xffff, v2, v3;
	_ =	sdelay $0xd  }
0xd9: {  	s20 =	sshra.s32 s16, $0x2;
	s16 =	smov.u32 s19;
	_, v2, _ =	vpop (xrf1)  }
0xda: {  	s18 =	sadd.s32 $0x20, s18;
	[tilespmem:s20+$0x4000] =	vst v2  }
0xdb: {  	v3 =	vld [tilespmem:s18+$0x0]  }
0xdc: {  	v2 =	vld [tilespmem:s18+$0xFFFFFFF0];
	_ =	sdelay $0x2  }
.Ltmp0:
0xdd: {  	(pc) =	sbr.rel @p0 .LBB2_2-.Ltmp0, $2  }
0xde: {  	_ =	sdelay $0x2  }
0xdf: {  	s19 =	sadd.s32 $0x40, s19;
	v4 =	vld.idx.msk [tilespmem:v3+s1+$0x0], $0xffff  }
0xe0: {  	_ =	sdelay $0x3  }
0xe1: {  	v5 =	vld.idx.msk [tilespmem:v2+s1+$0x0], $0xffff  }
0xe2: {  	v6 =	vld.idx.msk [tilespmem:v3+s11+$0x0], $0xffff  }
0xe3: {  	v7 =	vld.idx.msk [tilespmem:v2+s11+$0x0], $0xffff  }
0xe4: {  	v8 =	vld.idx.msk [tilespmem:v3+s12+$0x0], $0xffff  }
0xe5: {  	v9 =	vld.idx.msk [tilespmem:v2+s12+$0x0], $0xffff;
	_ =	sdelay $0x1  }
0xe6: {  	v10 =	vadd.f32 v4, v5;
	_ =	sdelay $0x1  }
0xe7: {  	v41 =	vadd.f32 v6, v7;
	(xrf2) =	vadd.scan.msk.f32 $0xffff, v10  }
0xe8: {  	v11 =	vadd.f32 v8, v9  }
0xe9: {  	(xrf2) =	vadd.scan.msk.f32 $0xffff, v41  }
0xea: {  	(xrf2) =	vadd.scan.msk.f32 $0xffff, v11;
	_ =	sdelay $0x6  }
0xeb: {  	v42, _, _ =	vpop (xrf2)  }
0xec: {  	v10 =	vmul.f32 $3.125000000e-02, v42  }
0xed: {  	v43, _, _ =	vpop (xrf2)  }
0xee: {  	v11 =	vmul.f32 $3.125000000e-02, v43;
	v12, _, _ =	vpop (xrf2);
	v10 =	vbroadcast v10, $0xF  }
0xef: {  	v12 =	vmul.f32 $3.125000000e-02, v12  }
0xf0: {  	v11 =	vbroadcast v11, $0xF;
	v13 =	vsub.f32 v5, v10  }
0xf1: {  	v10 =	vsub.f32 v4, v10;
	v12 =	vbroadcast v12, $0xF  }
0xf2: {  	v14 =	vsub.f32 v7, v11;
	v11 =	vsub.f32 v6, v11;
	v13 =	vmul.f32 v13, v13  }
0xf3: {  	v10 =	vmul.f32 v10, v10;
	v15 =	vsub.f32 v9, v12;
	v12 =	vsub.f32 v8, v12  }
0xf4: {  	v14 =	vmul.f32 v14, v14;
	v11 =	vmul.f32 v11, v11  }
0xf5: {  	v16 =	vadd.f32 v10, v13;
	v15 =	vmul.f32 v15, v15;
	v12 =	vmul.f32 v12, v12  }
0xf6: {  	v17 =	vadd.f32 v11, v14  }
0xf7: {  	(xrf2) =	vadd.scan.msk.f32 $0xffff, v16;
	v44 =	vadd.f32 v12, v15  }
0xf8: {  	(xrf2) =	vadd.scan.msk.f32 $0xffff, v17  }
0xf9: {  	(xrf2) =	vadd.scan.msk.f32 $0xffff, v44;
	_ =	sdelay $0x7  }
0xfa: {  	v45, _, _ =	vpop (xrf2)  }
0xfb: {  	v17, _, _ =	vpop (xrf2)  }
0xfc: {  	v18, _, _ =	vpop (xrf2)  }
0xfd: {  	v17 =	vbroadcast v17, $0xF;
	v18 =	vbroadcast v18, $0xF  }
0xfe: {  	v16 =	vbroadcast v45, $0xF  }
0xff: {  	v17 =	vsel vm0, v17, v18  }
0x100: {  	v16 =	vsel vm1, v17, v16  }
0x101: {  	v16 =	vmul.f32 $3.225806360e-02, v16;
	_ =	sdelay $0x1  }
0x102: {  	v46 =	vshra.s32 v16, $0x1  }
0x103: {  	v17 =	vadd.s32 $0x1FBD1DF5, v46  }
0x104: {  	(erf) = vrcp.f32 v17;
	_ =	sdelay $0x8  }
0x105: {  	v47 =	vpop (erf)  }
0x106: {  	v18 =	vmul.f32 v47, v16;
	_ =	sdelay $0x1  }
0x107: {  	v17 =	vadd.f32 v17, v18;
	_ =	sdelay $0x1  }
0x108: {  	v17 =	vmul.f32 $5.000000000e-01, v17;
	_ =	sdelay $0x1  }
0x109: {  	(erf) = vrcp.f32 v17;
	_ =	sdelay $0x8  }
0x10a: {  	v48 =	vpop (erf)  }
0x10b: {  	v18 =	vmul.f32 v48, v16;
	_ =	sdelay $0x1  }
0x10c: {  	v17 =	vadd.f32 v18, v17;
	_ =	sdelay $0x1  }
0x10d: {  	v17 =	vmul.f32 $5.000000000e-01, v17;
	_ =	sdelay $0x1  }
0x10e: {  	(erf) = vrcp.f32 v17;
	_ =	sdelay $0x8  }
0x10f: {  	v49 =	vpop (erf)  }
0x110: {  	v18 =	vmul.f32 v49, v16;
	_ =	sdelay $0x1  }
0x111: {  	v17 =	vadd.f32 v18, v17;
	_ =	sdelay $0x1  }
0x112: {  	v17 =	vmul.f32 $5.000000000e-01, v17;
	_ =	sdelay $0x1  }
0x113: {  	(erf) = vrcp.f32 v17;
	_ =	sdelay $0x8  }
0x114: {  	v50 =	vpop (erf)  }
0x115: {  	v16 =	vmul.f32 v50, v16;
	_ =	sdelay $0x1  }
0x116: {  	v16 =	vadd.f32 v16, v17;
	_ =	sdelay $0x1  }
0x117: {  	v16 =	vmul.f32 $5.000000000e-01, v16;
	_ =	sdelay $0x1  }
0x118: {  	v16 =	vadd.f32 $9.999999970e-07, v16;
	_ =	sdelay $0x1  }
0x119: {  	v16 =	vnsel vm2, $0x0, v16  }
0x11a: {  	(xrf2) =	vadd.scan.msk.f32 $0xffff, v16;
	_ =	sdelay $0x9  }
0x11b: {  	v16, _, _ =	vpop (xrf2)  }
0x11c: {  	v16 =	vbroadcast v16, $0xF;
	_ =	sdelay $0x1  }
0x11d: {  	v16 =	vmul.f32 v16, v0;
	_ =	sdelay $0x1  }
0x11e: {  	(erf) = vrcp.f32 v16;
	_ =	sdelay $0x3  }
0x11f: {  	s17 =	sadd.s32 $0x1, s17;
	v10 =	vadd.f32 v11, v10  }
0x120: {  	v51 =	vmov s17  }
0x121: {  	v52 =	vadd.f32 v14, v13;
	v10 =	vadd.f32 v12, v10;
	_ =	sdelay $0x1  }
0x122: {  	v11 =	vadd.f32 v15, v52;
	v10 =	vsub.f32 $0.0e+00, v10  }
0x123: {  	v54 =	vpop (erf)  }
0x124: {  	v55 =	vld.idx.msk [tilespmem:v51+s1+$0x0], $0xffff;
	v11 =	vsub.f32 $0.0e+00, v11;
	v10 =	vmul.f32 v54, v10  }
0x125: {  	v53 =	vld.idx.msk [tilespmem:v51+s11+$0x0], $0xffff  }
0x126: {  	v11 =	vmul.f32 v54, v11;
	v10 =	vmul.f32 $1.442695020e+00, v10  }
0x127: {  	v56 =	vld.idx.msk [tilespmem:v51+s12+$0x0], $0xffff  }
0x128: {  	v11 =	vmul.f32 $1.442695020e+00, v11;
	(erf) = vpow2.f32 v10  }
0x129: {  	v57 =	vsub.f32 v4, v55  }
0x12a: {  	v6 =	vsub.f32 v6, v53;
	(erf) = vpow2.f32 v11  }
0x12b: {  	v4 =	vmul.f32 v57, v57;
	v5 =	vsub.f32 v5, v55  }
0x12c: {  	v7 =	vsub.f32 v7, v53;
	v8 =	vsub.f32 v8, v56;
	v6 =	vmul.f32 v6, v6  }
0x12d: {  	v59 =	vsub.f32 v9, v56;
	v5 =	vmul.f32 v5, v5  }
0x12e: {  	v7 =	vmul.f32 v7, v7;
	v58 =	vmul.f32 v8, v8;
	v4 =	vadd.f32 v6, v4;
	_ =	sdelay $0x1  }
0x12f: {  	v60 =	vmul.f32 v59, v59;
	v5 =	vadd.f32 v7, v5;
	v4 =	vadd.f32 v58, v4  }
0x130: {  	v61 =	vpop (erf)  }
0x131: {  	v5 =	vadd.f32 v60, v5;
	v4 =	vmul.f32 v61, v4  }
0x132: {  	v62 =	vpop (erf)  }
0x133: {  	v5 =	vmul.f32 v62, v5;
	(xrf1) =	vsort.ascd.msk.f32 $0xffff, v4, v3;
	_ =	sdelay $0x1  }
0x134: {  	(xrf1) =	vsort.ascd.msk.f32 $0xffff, v5, v2;
	_ =	sdelay $0xb  }
0x135: {  	v2, v3, _ =	vpop (xrf1)  }
0x136: {  	v2 =	vperm.xlane v2, v1  }
0x137: {  	v3 =	vperm.xlane v3, v1;
	v63, v5, _ =	vpop (xrf1)  }
0x138: {  	vm3 =	vle.f32 v63, v2  }
0x139: {  	v2 =	vsel vm3, v63, v2;
	v3 =	vsel vm3, v5, v3  }
0x13a: {  	(xrf1) =	vsort.ascd.msk.f32 $0xffff, v2, v3;
	_ =	sdelay $0xc  }
0x13b: {  	s15 =	sadd.s32 $0x1, s15  }
0x13c: {  	s16 =	sshra.s32 s16, $0x2;
	p0 =	sne.s32 s15, s8;
	_, v2, _ =	vpop (xrf1)  }
.Ltmp1:
0x13d: {  	[tilespmem:s16+$0x4000] =	vst v2;
	(pc) =	sbr.rel @p0 .LBB2_1-.Ltmp1, $4  }
0x13e: {  	[hbm4b:s7+s1] =	stream.linear.scatter [tilespmem:s14], [sflag:$0x1], $0x800, $0x38;
	[tilespmem:$0x4800] =	vst v63  }
0x13f: {  	_ =	swait.ge [sflag:s10], $0x800  }
0x140: {  	[sflag:s10] =	ssyncset.done $0x0  }
0x141: {  	[sflag:s10] =	ssyncadd.s32 $0xFFFFF800  }
0x142: {  	_ =	sfence.sel $0x180000  }
0x143: {  	[bflag:$0x0] =	sbarrier.arrive $0xFFFF  }
0x144: {  	p0 =	sne.s32 s2, $0x0;
	_ =	strace $0x90000047  }
0x145: {  	s0 =	sadd.s32 @!p0 $0x100000, s0;
	[bflag:$0x2] =	sbarrier.arrive $0xFFFF  }
0x146: {  	[sflag:s0] =	ssyncadd.tile.s32 @!p0 $0x1;
	_ =	shalt  }
.Lfunc_end2:
_tile_overlayer_lowered:
.L_overlay_start_2:
0x147: {  	(tag) =	ssettag $0x2  }
0x148: {  	s0 =	rddreg [dreg:$0x0];
	s2 =	stileid.u32  }
0x149: {  	s1 =	rddreg [dreg:$0x1];
	p0 =	sne.s32 s2, $0x0  }
0x14a: {  	s3 =	rddreg [dreg:$0x2];
	[bflag:$0x3] =	sbarrier.arrive $0xFFFF;
	s2 =	simm.s32 @!p0 $0x1C01  }
0x14b: {  	[timem:s3], [sflag:s2] =	dma.local @!p0 [hbm:s0], s1  }
0x14c: {  	s0 =	simm.s32 @!p0 $0x1  }
0x14d: {  	_ =	swait.ge @!p0 [sflag:s0], s1  }
0x14e: {  	s1 =	ssub.s32 @!p0 $0x0, s1;
	[sflag:s0] =	ssyncset.done @!p0 $0x0  }
0x14f: {  	[sflag:s0] =	ssyncadd.s32 @!p0 s1  }
0x150: {  	[bflag:$0x3] =	sbarrier.arrive $0xFFFF  }
0x151: {  	_ =	shalt  }

// kernel: kernel.9.cloned.1.call-start
scs
__scs_entry_jumppad:
0x0: {  	(pc) =	sbr.rel $0x88, $3  }
0x1: {  	(tag) =	ssettag $0x0;
	lr =	simm.s32 $0x1  }
0x2: {  	[smem:$0x3FA0] =	sst lr;
	_ =	strace $0xD0000000  }
0x3: {  	_ = 	snop  }
0x4: {  	_ = 	snop  }
0x5: {  	_ = 	snop  }
0x6: {  	_ = 	snop  }
0x7: {  	_ = 	snop  }
__scs_overlays_trampoline_lowered:
0x8: {  	[smem:$0x3FAF] =	sst s0  }
0x9: {  	[smem:$0x3FB0] =	sst s1  }
0xa: {  	[smem:$0x3FB1] =	sst s2  }
0xb: {  	[smem:$0x3FB2] =	sst s3  }
0xc: {  	[smem:$0x3FB3] =	sst s4  }
0xd: {  	[smem:$0x3FB4] =	sst s5  }
0xe: {  	[smem:$0x3FB5] =	sst s6  }
0xf: {  	[smem:$0x3FB6] =	sst s7  }
0x10: {  	[smem:$0x3FB7] =	sst s8  }
0x11: {  	[smem:$0x3FB8] =	sst s9;
	s0 =	simm.s32 @!p0 $0x0  }
0x12: {  	s1 =	sld [smem:$0x3F9E];
	s0 =	simm.s32 @p0 $0x1  }
0x13: {  	[smem:$0x3FB9] =	sst s0;
	s0 =	simm.s32 @!p1 $0x0  }
0x14: {  	s2 =	sld [smem:$0x3F9D];
	s0 =	simm.s32 @p1 $0x1  }
0x15: {  	[smem:$0x3FBA] =	sst s0;
	s0 =	simm.s32 @!p2 $0x0  }
0x16: {  	s3 =	sld [smem:$0x3FDB];
	s0 =	simm.s32 @p2 $0x1  }
0x17: {  	s4 =	simm.s32 $0x1BF5;
	[smem:$0x3FBC] =	sst s0  }
0x18: {  	s0 =	sld [smem:$0x3F9F];
	_ =	swait.ge [sflag:s4], $0x0  }
0x19: {  	s7 =	sld [smem:$0x3FA0]  }
0x1a: {  	s8 =	sadd.s32 $0xFFFFE003, lr  }
0x1b: {  	s9 =	sadd.s32 $0xFFFFFEF7, lr;
	s5 =	simm.s32 $0xFFFFFFFF;
	p2 =	slt.u32 s8, $0xFFFFF086  }
0x1c: {  	p1 =	slt.u32 s9, $0xF7A;
	s5 =	simm.s32 @!p2 $0x0  }
0x1d: {  	s5 =	simm.s32 @p1 $0x1;
	p0 =	seq.s32 s7, s2  }
0x1e: {  	s7 =	smul.u32 @!p0 $0xF7A, s2;
	p2 =	seq.s32 @!p0 s5, $0x0  }
0x1f: {  	s9 =	smul.u32 $0xF7A, s1;
	s8 =	simm.s32 @!p0 $0x1BF5;
	p2 =	por !p2, p0  }
0x20: {  	[sflag:s8] =	ssyncset.s32 @!p0 $0xFFFFF086;
	s6 =	sadd.s32 @!p0 s3, s7;
	s7 =	simm.s32 @!p0 $0x108  }
0x21: {  	s3 =	sadd.s32 s3, s9;
	s6 =	sadd.s32 @!p0 $0x88, s6;
	s7 =	simm.s32 @p2 $0x1082  }
0x22: {  	[simem:s7], [sflag:s8] =	dma.local @!p0 [hbm:s6], $0xF7A  }
0x23: {  	s9 =	sor.u32 $0xD0000000, s2;
	s6 =	simm.s32 $0x108;
	_ =	swait.ge @!p0 [sflag:s8], $0x0  }
0x24: {  	s3 =	sadd.s32 $0x88, s3;
	s6 =	simm.s32 @!p1 $0x1082;
	[sflag:s4] =	ssyncset.s32 $0xFFFFF086  }
0x25: {  	[simem:s6], [sflag:s4] =	dma.local [hbm:s3], $0xF7A  }
0x26: {  	[smem:$0x3FA0] =	sst s1;
	(tag) =	ssettag s2;
	_ =	strace s9  }
0x27: {  	s1 =	sld [smem:$0x3FB0]  }
0x28: {  	s2 =	sld [smem:$0x3FB1]  }
0x29: {  	s4 =	sld [smem:$0x3FB3]  }
0x2a: {  	p0 =	seq.s32 s5, $0x0;
	s5 =	sld [smem:$0x3FB4]  }
0x2b: {  	s6 =	sld [smem:$0x3FB5]  }
0x2c: {  	s7 =	sld [smem:$0x3FB6]  }
0x2d: {  	s3 =	simm.s32 $0x108;
	s8 =	sld [smem:$0x3FB7]  }
0x2e: {  	s3 =	simm.s32 @!p0 $0x1082;
	s9 =	sld [smem:$0x3FB8]  }
0x2f: {  	lr =	sadd.s32 s0, s3;
	s0 =	sld [smem:$0x3FAF]  }
0x30: {  	s3 =	sld [smem:$0x3FB2]  }
0x31: {  	[smem:$0x3FBB] =	sst s10  }
0x32: {  	s10 =	sld [smem:$0x3FB9];
	_ =	sdelay $0x3  }
0x33: {  	p0 =	seq.s32 s10, $0x1;
	s10 =	sld [smem:$0x3FBB];
	_ =	sdelay $0x3  }
0x34: {  	[smem:$0x3FBB] =	sst s10  }
0x35: {  	s10 =	sld [smem:$0x3FBA];
	_ =	sdelay $0x3  }
0x36: {  	p1 =	seq.s32 s10, $0x1;
	s10 =	sld [smem:$0x3FBB];
	_ =	sdelay $0x3  }
0x37: {  	[smem:$0x3FBB] =	sst s10  }
0x38: {  	s10 =	sld [smem:$0x3FBC]  }
0x39: {  	_ = 	snop;
	(pc) =	sbr.ind lr, $3  }
0x3a: {  	_ = 	snop  }
0x3b: {  	_ = 	snop  }
0x3c: {  	p2 =	seq.s32 s10, $0x1;
	s10 =	sld [smem:$0x3FBB]  }
0x3d: {  	_ =	shalt  }
0x3e: {  	_ =	shalt  }
0x3f: {  	_ =	shalt  }
0x40: {  	_ =	shalt  }
0x41: {  	_ =	shalt  }
0x42: {  	_ =	shalt  }
0x43: {  	_ =	shalt  }
0x44: {  	_ =	shalt  }
0x45: {  	_ =	shalt  }
0x46: {  	_ =	shalt  }
0x47: {  	_ =	shalt  }
0x48: {  	_ =	shalt  }
0x49: {  	_ =	shalt  }
0x4a: {  	_ =	shalt  }
0x4b: {  	_ =	shalt  }
0x4c: {  	_ =	shalt  }
0x4d: {  	_ =	shalt  }
0x4e: {  	_ =	shalt  }
0x4f: {  	_ =	shalt  }
0x50: {  	_ =	shalt  }
0x51: {  	_ =	shalt  }
0x52: {  	_ =	shalt  }
0x53: {  	_ =	shalt  }
0x54: {  	_ =	shalt  }
0x55: {  	_ =	shalt  }
0x56: {  	_ =	shalt  }
0x57: {  	_ =	shalt  }
0x58: {  	_ =	shalt  }
0x59: {  	_ =	shalt  }
0x5a: {  	_ =	shalt  }
0x5b: {  	_ =	shalt  }
0x5c: {  	_ =	shalt  }
0x5d: {  	_ =	shalt  }
0x5e: {  	_ =	shalt  }
0x5f: {  	_ =	shalt  }
0x60: {  	_ =	shalt  }
0x61: {  	_ =	shalt  }
0x62: {  	_ =	shalt  }
0x63: {  	_ =	shalt  }
0x64: {  	_ =	shalt  }
0x65: {  	_ =	shalt  }
0x66: {  	_ =	shalt  }
0x67: {  	_ =	shalt  }
0x68: {  	_ =	shalt  }
0x69: {  	_ =	shalt  }
0x6a: {  	_ =	shalt  }
0x6b: {  	_ =	shalt  }
0x6c: {  	_ =	shalt  }
0x6d: {  	_ =	shalt  }
0x6e: {  	_ =	shalt  }
0x6f: {  	_ =	shalt  }
0x70: {  	_ =	shalt  }
0x71: {  	_ =	shalt  }
0x72: {  	_ =	shalt  }
0x73: {  	_ =	shalt  }
0x74: {  	_ =	shalt  }
0x75: {  	_ =	shalt  }
0x76: {  	_ =	shalt  }
0x77: {  	_ =	shalt  }
0x78: {  	_ =	shalt  }
0x79: {  	_ =	shalt  }
0x7a: {  	_ =	shalt  }
0x7b: {  	_ =	shalt  }
0x7c: {  	_ =	shalt  }
0x7d: {  	_ =	shalt  }
0x7e: {  	_ =	shalt  }
0x7f: {  	_ =	shalt  }
0x80: {  	_ =	shalt  }
0x81: {  	_ =	shalt  }
0x82: {  	_ =	shalt  }
0x83: {  	_ =	shalt  }
0x84: {  	_ =	shalt  }
0x85: {  	_ =	shalt  }
0x86: {  	_ =	shalt  }
0x87: {  	_ =	shalt  }
.Lfunc_end0:
.L_simem_size_0:
called_computation.1_lowered:
.L_overlay_start_0:
0x88: {  	s2 =	sld [smem:$0x3FD9]  }
0x89: {  	s3 =	sld [smem:$0x3FFE];
	_ =	sdelay $0x1  }
0x8a: {  	s1 =	srdreg.scid  }
0x8b: {  	s0 =	sand.u32 $0x1, s1  }
0x8c: {  	s17 =	sshll.u32 s0, $0xA;
	s2 =	sadd.s32 s3, s2  }
0x8d: {  	s2 =	sadd.s32 s2, s17  }
0x8e: {  	[smem:$0x3FC7] =	sst s2  }
0x8f: {  	_ = 	snop  }
0x90: {  	s18 =	sld [smem:$0x3FD0];
	(tm) =	ssettm $0x1  }
0x91: {  	s19 =	sld [smem:$0x3FFB];
	_ =	sdelay $0x3  }
0x92: {  	_ =	strace s19  }
0x93: {  	s2 =	sld [smem:$0x3FFC];
	_ =	sdelay $0x3  }
0x94: {  	_ =	strace s2  }
0x95: {  	s2 =	sld [smem:$0x3FFD];
	_ =	sdelay $0x3  }
0x96: {  	_ =	strace s2  }
0x97: {  	_ =	strace $0x8FFFFFFF  }
0x98: {  	s20 =	sld [smem:$0x3FDB];
	_ =	sdelay $0x1  }
0x99: {  	s4 =	simm.s32 $_scs_section_size  }
0x9a: {  	s5 =	simm.s32 $_size__tile_overlayer_lowered;
	s6 =	simm.s32 $_tile_overlayer_lowered  }
0x9b: {  	s7 =	simm.s32 $0x1BFF;
	s21 =	sshll.u32 s6, $0x1;
	s4 =	sadd.s32 s4, s20  }
0x9c: {  	s22 =	simm.s32 $0x0;
	s5 =	sshll.u32 s5, $0x1;
	s6 =	sadd.s32 s21, s4  }
0x9d: {  	[timem:s22], [sflag:s7] =	dma.local [hbm:s6], s5  }
0x9e: {  	_ =	swait.ge [sflag:s7], s5  }
0x9f: {  	s5 =	ssub.s32 $0x0, s5;
	[sflag:s7] =	ssyncset.done $0x0  }
0xa0: {  	[sflag:s7] =	ssyncadd.s32 s5;
	_ =	sdelay $0x1  }
0xa1: {  	s23 =	simm.s32 $0x1B8B  }
0xa2: {  	_ =	swait.ge [sflag:s23], $0x1  }
0xa3: {  	[sflag:s23] =	ssyncset.done $0x0  }
0xa4: {  	[sflag:s23] =	ssyncadd.s32 $0xFFFFFFFF  }
0xa5: {  	s5 =	sld [smem:$0x0]  }
0xa6: {  	s6 =	sand.u32 $0xFFFFFFFE, s1  }
0xa7: {  	p0 =	sne.s32 s1, s6  }
0xa8: {  	s6 =	sshll.u32 @p0 s6, $0xE  }
0xa9: {  	s6 =	sadd.s32 @p0 $0x11B8D, s6;
	s7 =	sshll.u32 @p0 s5, $0x11  }
0xaa: {  	s6 =	sor.u32 @p0 s7, s6  }
0xab: {  	[sflag:s6] =	ssyncadd.remote.s32 @p0 $0x1;
	_ =	sdelay $0x1  }
0xac: {  	s6 =	simm.s32 @p0 $0x1B8D  }
0xad: {  	_ =	swait.eq @p0 [sflag:s6], $0x1  }
0xae: {  	[sflag:s6] =	ssyncadd.s32 @p0 $0xFFFFFFFF  }
0xaf: {  	s7 =	sshll.u32 @!p0 s1, $0xE  }
0xb0: {  	s7 =	sor.u32 @!p0 $0x4000, s7;
	s6 =	simm.s32 @!p0 $0x1B8D  }
0xb1: {  	s5 =	sshll.u32 @!p0 s5, $0x11;
	s7 =	sadd.s32 @!p0 $0x11B8D, s7;
	_ =	swait.eq @!p0 [sflag:s6], $0x1  }
0xb2: {  	s5 =	sor.u32 @!p0 s5, s7;
	[sflag:s6] =	ssyncadd.s32 @!p0 $0xFFFFFFFF  }
0xb3: {  	s25 =	simm.s32 $0x1B8E;
	s24 =	sld [smem:$0x3FFE];
	[sflag:s5] =	ssyncadd.remote.s32 @!p0 $0x1  }
0xb4: {  	s26 =	simm.s32 $execute0_lowered;
	[smem:$0x3FD2] =	sst s25  }
0xb5: {  	s6 =	sshll.u32 s26, $0x1;
	_ =	strace $0x80000049;
	[dreg:$0x1] =	wrdreg $0xFFFFFFFF  }
0xb6: {  	s28 =	simm.s32 $_size_execute0_lowered;
	s4 =	sadd.s32 s4, s6;
	[dreg:$0x0] =	wrdreg $0x0  }
0xb7: {  	s6 =	sshll.u32 s28, $0x1;
	[dreg:$0x2] =	wrdreg s4  }
0xb8: {  	[dreg:$0x3] =	wrdreg s6  }
0xb9: {  	[dreg:$0x4] =	wrdreg $0xC0  }
0xba: {  	_ =	task [dreg:s22], $0x5FFFF  }
0xbb: {  	[dreg:$0x1] =	wrdreg $0xFFFFFFFF  }
0xbc: {  	[dreg:$0x0] =	wrdreg $0x60  }
0xbd: {  	[dreg:$0x2] =	wrdreg s24  }
0xbe: {  	[dreg:$0x3] =	wrdreg s18  }
0xbf: {  	[dreg:$0x4] =	wrdreg $0xA  }
0xc0: {  	_ =	task.clear_ibuf [dreg:s22], $0x5FFFF;
	_ =	strace $0x90000049  }
0xc1: {  	s29 =	simm.s32 $0xA;
	_ =	strace $0x8000004B  }
0xc2: {  	_ =	swait.ge [sflag:s29], $0x1  }
0xc3: {  	[sflag:s29] =	ssyncadd.s32 $0xFFFFFFFF  }
0xc4: {  	_ =	strace $0x9000004B  }
0xc5: {  	_ =	sfence  }
0xc6: {  	s30 =	sld [smem:$0x0];
	_ =	sdelay $0x2  }
0xc7: {  	s31 =	sshll.u32 s1, $0xD;
	s1 =	sshrl.u32 s1, $0x2  }
0xc8: {  	s4 =	sand.u32 $0x4000, s31;
	s1 =	sadd.s32 s1, s30  }
0xc9: {  	s0 =	sor.u32 s4, s0;
	s1 =	sshll.u32 s1, $0x11  }
0xca: {  	s0 =	sor.u32 s1, s0  }
0xcb: {  	s0 =	sadd.s32 $0x8F2B, s0  }
0xcc: {  	[sflag:s0] =	ssyncadd.remote.s32 $0x1  }
0xcd: {  	_ =	sfence.sel $0xFFFF  }
0xce: {  	[dreg:$0x0] =	wrdreg $0xFFFFFFFF;
	(pc) =	sbr.abs _section_cstart, $3  }
0xcf: {  	[dreg:$0x1] =	wrdreg $0xFFFFFFFF  }
0xd0: {  	_ =	task.clear_ibuf [dreg:s22], $0x2FFFF;
	_ =	strace $0x9FFFFFFF  }
0xd1: {  	(tm) =	ssettm $0x7FFFFFFF  }
tec
execute0_lowered:
.L_overlay_start_1:
0x0: {  	(tag) =	ssettag $0x1  }
0x1: {  	s5 =	rddreg [dreg:$0x0]  }
0x2: {  	s6 =	rddreg [dreg:$0x1];
	s1 =	simm.s32 $0x0  }
0x3: {  	[smem:$0x7FF] =	sst s1  }
0x4: {  	s0 =	rddreg [dreg:$0x2];
	v0 =	vimm.f32 $3.000000000e+00;
	_ =	strace $0x8000004A  }
0x5: {  	(erf) = vrcp.f32 v0  }
0x6: {  	s3 =	srdreg.scid;
	s2 =	stileid.u32  }
0x7: {  	s13 =	simm.s32 $0x3000;
	s14 =	simm.s32 $0x4000;
	s15 =	simm.s32 $0x0  }
0x8: {  	s7 =	sand.u32 $0x1, s3;
	s31 =	sshll.u32 s2, $0x1;
	s3 =	sadd.s32 $0x7200, s5  }
0x9: {  	s11 =	sshll.u32 s2, $0x8;
	s8 =	sor.u32 s7, s31;
	s4 =	ssub.s32 $0x2, s7  }
0xa: {  	s12 =	sshll.u32 s7, $0x7;
	s9 =	sshll.u32 s8, $0x8;
	s10 =	sshrl.u32 s4, $0x1  }
0xb: {  	s8 =	sshll.u32 s8, $0x9;
	v0 =	vlaneseq.u32;
	s9 =	sadd.s32 s9, s5;
	s10 =	ssub.s32 s4, s10  }
0xc: {  	s4 =	sadd.s32 $0x7400, s5;
	s5 =	sadd.s32 $0x7600, s5;
	s6 =	sadd.s32 s6, s8;
	v1 =	vmul.u32 $0xFFFFFFFF, v0  }
0xd: {  	vm0 =	vcmask $0x704;
	s7 =	sadd.s32 $0x7800, s9;
	s8 =	smax.u32 s10, $0x1;
	s9 =	sor.u32 s12, s11  }
0xe: {  	vm1 =	vcmask $0x3F04;
	vm2 =	vmmov $0x7;
	s10 =	simm.s32 $0x1;
	s11 =	simm.s32 $0x1000;
	s12 =	simm.s32 $0x2000;
	v1 =	vadd.s32 $0xF, v1;
	v0 =	vpop (erf)  }
.LBB2_1:
0xf: {  	[tilespmem:s1], [sflag:$0x1] =	stream.linear.gather [hbm4b:s3+s1], $0x1000, $0x38;
	[tilespmem:$0x4800] =	vst v63  }
0x10: {  	_ =	swait.ge [sflag:s10], $0x1000  }
0x11: {  	[sflag:s10] =	ssyncset.done $0x0  }
0x12: {  	[sflag:s10] =	ssyncadd.s32 $0xFFFFF000  }
0x13: {  	[tilespmem:s11], [sflag:$0x1] =	stream.linear.gather [hbm4b:s4+s1], $0x1000, $0x38;
	[tilespmem:$0x4800] =	vst v63  }
0x14: {  	_ =	swait.ge [sflag:s10], $0x1000  }
0x15: {  	[sflag:s10] =	ssyncset.done $0x0  }
0x16: {  	[sflag:s10] =	ssyncadd.s32 $0xFFFFF000  }
0x17: {  	[tilespmem:s12], [sflag:$0x1] =	stream.linear.gather [hbm4b:s5+s1], $0x1000, $0x38;
	[tilespmem:$0x4800] =	vst v63  }
0x18: {  	_ =	swait.ge [sflag:s10], $0x1000  }
0x19: {  	[sflag:s10] =	ssyncset.done $0x0  }
0x1a: {  	[sflag:s10] =	ssyncadd.s32 $0xFFFFF000  }
0x1b: {  	[tilespmem:s13], [sflag:$0x1] =	stream.linear.gather [hbm4b:s6+s1], $0x1000, $0x38;
	[tilespmem:$0x4800] =	vst v63  }
0x1c: {  	_ =	swait.ge [sflag:s10], $0x1000  }
0x1d: {  	[sflag:s10] =	ssyncset.done $0x0  }
0x1e: {  	s16 =	simm.s32 $0x3010;
	[sflag:s10] =	ssyncadd.s32 $0xFFFFF000  }
0x1f: {  	v2 =	vld [tilespmem:s16+$0x0]  }
0x20: {  	v3 =	vld [tilespmem:s16+$0xFFFFFFF0];
	_ =	sdelay $0x6  }
0x21: {  	v4 =	vld.idx.msk [tilespmem:v2+s1+$0x0], $0xffff  }
0x22: {  	v5 =	vld.idx.msk [tilespmem:v3+s1+$0x0], $0xffff  }
0x23: {  	v6 =	vld.idx.msk [tilespmem:v2+s11+$0x0], $0xffff  }
0x24: {  	v7 =	vld.idx.msk [tilespmem:v3+s11+$0x0], $0xffff  }
0x25: {  	v8 =	vld.idx.msk [tilespmem:v2+s12+$0x0], $0xffff  }
0x26: {  	v9 =	vld.idx.msk [tilespmem:v3+s12+$0x0], $0xffff;
	_ =	sdelay $0x1  }
0x27: {  	v10 =	vadd.f32 v4, v5;
	_ =	sdelay $0x1  }
0x28: {  	v47 =	vadd.f32 v6, v7;
	(xrf2) =	vadd.scan.msk.f32 $0xffff, v10  }
0x29: {  	v11 =	vadd.f32 v8, v9  }
0x2a: {  	(xrf2) =	vadd.scan.msk.f32 $0xffff, v47  }
0x2b: {  	(xrf2) =	vadd.scan.msk.f32 $0xffff, v11;
	_ =	sdelay $0x6  }
0x2c: {  	v48, _, _ =	vpop (xrf2)  }
0x2d: {  	v10 =	vmul.f32 $3.125000000e-02, v48  }
0x2e: {  	v49, _, _ =	vpop (xrf2)  }
0x2f: {  	v11 =	vmul.f32 $3.125000000e-02, v49;
	v12, _, _ =	vpop (xrf2);
	v10 =	vbroadcast v10, $0xF  }
0x30: {  	v12 =	vmul.f32 $3.125000000e-02, v12  }
0x31: {  	v11 =	vbroadcast v11, $0xF;
	v13 =	vsub.f32 v5, v10  }
0x32: {  	v10 =	vsub.f32 v4, v10;
	v12 =	vbroadcast v12, $0xF  }
0x33: {  	v14 =	vsub.f32 v7, v11;
	v11 =	vsub.f32 v6, v11;
	v13 =	vmul.f32 v13, v13  }
0x34: {  	v10 =	vmul.f32 v10, v10;
	v15 =	vsub.f32 v9, v12;
	v12 =	vsub.f32 v8, v12  }
0x35: {  	v14 =	vmul.f32 v14, v14;
	v11 =	vmul.f32 v11, v11  }
0x36: {  	v16 =	vadd.f32 v10, v13;
	v15 =	vmul.f32 v15, v15;
	v12 =	vmul.f32 v12, v12  }
0x37: {  	v17 =	vadd.f32 v11, v14  }
0x38: {  	(xrf2) =	vadd.scan.msk.f32 $0xffff, v16;
	v50 =	vadd.f32 v12, v15  }
0x39: {  	(xrf2) =	vadd.scan.msk.f32 $0xffff, v17  }
0x3a: {  	(xrf2) =	vadd.scan.msk.f32 $0xffff, v50;
	_ =	sdelay $0x7  }
0x3b: {  	v51, _, _ =	vpop (xrf2)  }
0x3c: {  	v17, _, _ =	vpop (xrf2)  }
0x3d: {  	v18, _, _ =	vpop (xrf2)  }
0x3e: {  	v17 =	vbroadcast v17, $0xF;
	v18 =	vbroadcast v18, $0xF  }
0x3f: {  	v16 =	vbroadcast v51, $0xF  }
0x40: {  	v17 =	vsel vm0, v17, v18  }
0x41: {  	v16 =	vsel vm1, v17, v16  }
0x42: {  	v16 =	vmul.f32 $3.225806360e-02, v16;
	_ =	sdelay $0x1  }
0x43: {  	v52 =	vshra.s32 v16, $0x1  }
0x44: {  	v17 =	vadd.s32 $0x1FBD1DF5, v52  }
0x45: {  	(erf) = vrcp.f32 v17;
	_ =	sdelay $0x8  }
0x46: {  	v53 =	vpop (erf)  }
0x47: {  	v18 =	vmul.f32 v53, v16;
	_ =	sdelay $0x1  }
0x48: {  	v17 =	vadd.f32 v17, v18;
	_ =	sdelay $0x1  }
0x49: {  	v17 =	vmul.f32 $5.000000000e-01, v17;
	_ =	sdelay $0x1  }
0x4a: {  	(erf) = vrcp.f32 v17;
	_ =	sdelay $0x8  }
0x4b: {  	v54 =	vpop (erf)  }
0x4c: {  	v18 =	vmul.f32 v54, v16;
	_ =	sdelay $0x1  }
0x4d: {  	v17 =	vadd.f32 v18, v17;
	_ =	sdelay $0x1  }
0x4e: {  	v17 =	vmul.f32 $5.000000000e-01, v17;
	_ =	sdelay $0x1  }
0x4f: {  	(erf) = vrcp.f32 v17;
	_ =	sdelay $0x8  }
0x50: {  	v55 =	vpop (erf)  }
0x51: {  	v18 =	vmul.f32 v55, v16;
	_ =	sdelay $0x1  }
0x52: {  	v17 =	vadd.f32 v18, v17;
	_ =	sdelay $0x1  }
0x53: {  	v17 =	vmul.f32 $5.000000000e-01, v17;
	_ =	sdelay $0x1  }
0x54: {  	(erf) = vrcp.f32 v17;
	_ =	sdelay $0x8  }
0x55: {  	v56 =	vpop (erf)  }
0x56: {  	v16 =	vmul.f32 v56, v16;
	_ =	sdelay $0x1  }
0x57: {  	v16 =	vadd.f32 v16, v17;
	_ =	sdelay $0x1  }
0x58: {  	v16 =	vmul.f32 $5.000000000e-01, v16;
	_ =	sdelay $0x1  }
0x59: {  	v16 =	vadd.f32 $9.999999970e-07, v16;
	_ =	sdelay $0x1  }
0x5a: {  	v16 =	vnsel vm2, $0x0, v16  }
0x5b: {  	(xrf2) =	vadd.scan.msk.f32 $0xffff, v16;
	_ =	sdelay $0x9  }
0x5c: {  	v16, _, _ =	vpop (xrf2)  }
0x5d: {  	v16 =	vbroadcast v16, $0xF;
	_ =	sdelay $0x1  }
0x5e: {  	v16 =	vmul.f32 v16, v0;
	_ =	sdelay $0x1  }
0x5f: {  	(erf) = vrcp.f32 v16;
	_ =	sdelay $0x3  }
0x60: {  	v57 =	vmov s9;
	v10 =	vadd.f32 v11, v10;
	_ =	sdelay $0x1  }
0x61: {  	v58 =	vadd.f32 v14, v13;
	v10 =	vadd.f32 v12, v10;
	_ =	sdelay $0x1  }
0x62: {  	v11 =	vadd.f32 v15, v58;
	v10 =	vsub.f32 $0.0e+00, v10  }
0x63: {  	v59 =	vld.idx.msk [tilespmem:v57+s11+$0x0], $0xffff;
	v60 =	vpop (erf)  }
0x64: {  	v61 =	vld.idx.msk [tilespmem:v57+s1+$0x0], $0xffff;
	v11 =	vsub.f32 $0.0e+00, v11;
	v10 =	vmul.f32 v60, v10;
	_ =	sdelay $0x1  }
0x65: {  	v62 =	vld.idx.msk [tilespmem:v57+s12+$0x0], $0xffff;
	v11 =	vmul.f32 v60, v11;
	v10 =	vmul.f32 $1.442695020e+00, v10;
	_ =	sdelay $0x1  }
0x66: {  	v11 =	vmul.f32 $1.442695020e+00, v11;
	(erf) = vpow2.f32 v10  }
0x67: {  	v4 =	vsub.f32 v4, v61;
	v6 =	vsub.f32 v6, v59  }
0x68: {  	(erf) = vpow2.f32 v11  }
0x69: {  	v8 =	vsub.f32 v8, v62;
	v4 =	vmul.f32 v4, v4;
	v6 =	vmul.f32 v6, v6  }
0x6a: {  	v5 =	vsub.f32 v5, v61;
	v7 =	vsub.f32 v7, v59  }
0x6b: {  	v4 =	vadd.f32 v6, v4;
	v6 =	vmul.f32 v8, v8  }
0x6c: {  	v63 =	vsub.f32 v9, v62;
	v5 =	vmul.f32 v5, v5;
	v7 =	vmul.f32 v7, v7;
	_ =	sdelay $0x1  }
0x6d: {  	v5 =	vadd.f32 v7, v5;
	v7 =	vmul.f32 v63, v63;
	v4 =	vadd.f32 v6, v4  }
0x6e: {  	v6 =	vpop (erf)  }
0x6f: {  	v5 =	vadd.f32 v7, v5;
	v4 =	vmul.f32 v6, v4  }
0x70: {  	v6 =	vpop (erf)  }
0x71: {  	v5 =	vmul.f32 v6, v5;
	(xrf1) =	vsort.ascd.msk.f32 $0xffff, v4, v2;
	_ =	sdelay $0x1  }
0x72: {  	(xrf1) =	vsort.ascd.msk.f32 $0xffff, v5, v3;
	_ =	sdelay $0xb  }
0x73: {  	v2, v3, _ =	vpop (xrf1)  }
0x74: {  	v2 =	vperm.xlane v2, v1  }
0x75: {  	v3 =	vperm.xlane v3, v1;
	v4, v5, _ =	vpop (xrf1)  }
0x76: {  	vm3 =	vle.f32 v4, v2  }
0x77: {  	v2 =	vsel vm3, v4, v2;
	v3 =	vsel vm3, v5, v3  }
0x78: {  	(xrf1) =	vsort.ascd.msk.f32 $0xffff, v2, v3;
	_ =	sdelay $0xd  }
0x79: {  	s31 =	simm.s32 $0x0;
	_, v2, _ =	vpop (xrf1)  }
0x7a: {  	s18 =	simm.s32 $0x3030;
	[tilespmem:s31+$0x4000] =	vst v2  }
0x7b: {  	v3 =	vld [tilespmem:s18+$0x0]  }
0x7c: {  	v2 =	vld [tilespmem:s18+$0xFFFFFFF0];
	_ =	sdelay $0x6  }
0x7d: {  	s19 =	simm.s32 $0x80;
	s17 =	smov.u32 s9;
	s16 =	simm.s32 $0x40;
	v4 =	vld.idx.msk [tilespmem:v3+s1+$0x0], $0xffff  }
.LBB2_2:
0x7e: {  	p0 =	sne.s32 s19, $0x1FC0;
	v5 =	vld.idx.msk [tilespmem:v2+s1+$0x0], $0xffff;
	_ =	sdelay $0x1  }
0x7f: {  	v8 =	vld.idx.msk [tilespmem:v3+s11+$0x0], $0xffff  }
0x80: {  	v6 =	vld.idx.msk [tilespmem:v2+s11+$0x0], $0xffff;
	_ =	sdelay $0x1  }
0x81: {  	v9 =	vld.idx.msk [tilespmem:v3+s12+$0x0], $0xffff  }
0x82: {  	v10 =	vadd.f32 v4, v5;
	v7 =	vld.idx.msk [tilespmem:v2+s12+$0x0], $0xffff;
	_ =	sdelay $0x1  }
0x83: {  	(xrf2) =	vadd.scan.msk.f32 $0xffff, v10  }
0x84: {  	v10 =	vadd.f32 v8, v6;
	_ =	sdelay $0x1  }
0x85: {  	(xrf2) =	vadd.scan.msk.f32 $0xffff, v10  }
0x86: {  	v10 =	vadd.f32 v9, v7;
	_ =	sdelay $0x1  }
0x87: {  	(xrf2) =	vadd.scan.msk.f32 $0xffff, v10;
	_ =	sdelay $0x3  }
0x88: {  	v10, _, _ =	vpop (xrf2);
	_ =	sdelay $0x1  }
0x89: {  	v10 =	vmul.f32 $3.125000000e-02, v10  }
0x8a: {  	v11, _, _ =	vpop (xrf2)  }
0x8b: {  	v14 =	vbroadcast v10, $0xF  }
0x8c: {  	v11 =	vmul.f32 $3.125000000e-02, v11  }
0x8d: {  	v12 =	vsub.f32 v5, v14;
	v13 =	vsub.f32 v4, v14;
	v10, _, _ =	vpop (xrf2)  }
0x8e: {  	v14 =	vbroadcast v11, $0xF;
	v15 =	vmul.f32 $3.125000000e-02, v10  }
0x8f: {  	v10 =	vmul.f32 v12, v12;
	v11 =	vmul.f32 v13, v13  }
0x90: {  	v12 =	vsub.f32 v6, v14;
	v13 =	vsub.f32 v8, v14  }
0x91: {  	v14 =	vbroadcast v15, $0xF;
	v15 =	vadd.f32 v11, v10  }
0x92: {  	v12 =	vmul.f32 v12, v12;
	v13 =	vmul.f32 v13, v13  }
0x93: {  	v16 =	vsub.f32 v7, v14;
	v17 =	vsub.f32 v9, v14;
	(xrf2) =	vadd.scan.msk.f32 $0xffff, v15  }
0x94: {  	v18 =	vadd.f32 v13, v12  }
0x95: {  	v14 =	vmul.f32 v16, v16;
	v15 =	vmul.f32 v17, v17  }
0x96: {  	(xrf2) =	vadd.scan.msk.f32 $0xffff, v18  }
0x97: {  	v16 =	vadd.f32 v15, v14;
	_ =	sdelay $0x1  }
0x98: {  	(xrf2) =	vadd.scan.msk.f32 $0xffff, v16;
	_ =	sdelay $0x3  }
0x99: {  	v16, _, _ =	vpop (xrf2);
	_ =	sdelay $0x2  }
0x9a: {  	v17, _, _ =	vpop (xrf2);
	_ =	sdelay $0x2  }
0x9b: {  	v18, _, _ =	vpop (xrf2)  }
0x9c: {  	v17 =	vbroadcast v17, $0xF;
	v18 =	vbroadcast v18, $0xF  }
0x9d: {  	v16 =	vbroadcast v16, $0xF  }
0x9e: {  	v17 =	vsel vm0, v17, v18  }
0x9f: {  	v16 =	vsel vm1, v17, v16  }
0xa0: {  	v16 =	vmul.f32 $3.225806360e-02, v16;
	_ =	sdelay $0x1  }
0xa1: {  	v17 =	vshra.s32 v16, $0x1  }
0xa2: {  	v17 =	vadd.s32 $0x1FBD1DF5, v17  }
0xa3: {  	(erf) = vrcp.f32 v17;
	_ =	sdelay $0x8  }
0xa4: {  	v18 =	vpop (erf)  }
0xa5: {  	v18 =	vmul.f32 v18, v16;
	_ =	sdelay $0x1  }
0xa6: {  	v17 =	vadd.f32 v17, v18;
	_ =	sdelay $0x1  }
0xa7: {  	v17 =	vmul.f32 $5.000000000e-01, v17;
	_ =	sdelay $0x1  }
0xa8: {  	(erf) = vrcp.f32 v17;
	_ =	sdelay $0x8  }
0xa9: {  	v18 =	vpop (erf)  }
0xaa: {  	v18 =	vmul.f32 v18, v16;
	_ =	sdelay $0x1  }
0xab: {  	v17 =	vadd.f32 v18, v17;
	_ =	sdelay $0x1  }
0xac: {  	v17 =	vmul.f32 $5.000000000e-01, v17;
	_ =	sdelay $0x1  }
0xad: {  	(erf) = vrcp.f32 v17;
	_ =	sdelay $0x8  }
0xae: {  	v18 =	vpop (erf)  }
0xaf: {  	v18 =	vmul.f32 v18, v16;
	_ =	sdelay $0x1  }
0xb0: {  	v17 =	vadd.f32 v18, v17;
	_ =	sdelay $0x1  }
0xb1: {  	v17 =	vmul.f32 $5.000000000e-01, v17;
	_ =	sdelay $0x1  }
0xb2: {  	(erf) = vrcp.f32 v17;
	_ =	sdelay $0x8  }
0xb3: {  	v18 =	vpop (erf)  }
0xb4: {  	v16 =	vmul.f32 v18, v16;
	_ =	sdelay $0x1  }
0xb5: {  	v16 =	vadd.f32 v16, v17;
	_ =	sdelay $0x1  }
0xb6: {  	v16 =	vmul.f32 $5.000000000e-01, v16;
	_ =	sdelay $0x1  }
0xb7: {  	v16 =	vadd.f32 $9.999999970e-07, v16;
	_ =	sdelay $0x1  }
0xb8: {  	v16 =	vnsel vm2, $0x0, v16  }
0xb9: {  	(xrf2) =	vadd.scan.msk.f32 $0xffff, v16;
	_ =	sdelay $0x9  }
0xba: {  	v16, _, _ =	vpop (xrf2)  }
0xbb: {  	v16 =	vbroadcast v16, $0xF;
	_ =	sdelay $0x1  }
0xbc: {  	v16 =	vmul.f32 v16, v0;
	_ =	sdelay $0x1  }
0xbd: {  	(erf) = vrcp.f32 v16;
	_ =	sdelay $0x1  }
0xbe: {  	s17 =	sadd.s32 $0x1, s17  }
0xbf: {  	v16 =	vmov s17  }
0xc0: {  	v11 =	vadd.f32 v13, v11;
	_ =	sdelay $0x1  }
0xc1: {  	v10 =	vadd.f32 v12, v10;
	v11 =	vadd.f32 v15, v11;
	_ =	sdelay $0x1  }
0xc2: {  	v10 =	vadd.f32 v14, v10;
	v11 =	vsub.f32 $0.0e+00, v11;
	v12 =	vld.idx.msk [tilespmem:v16+s11+$0x0], $0xffff  }
0xc3: {  	v13 =	vld.idx.msk [tilespmem:v16+s1+$0x0], $0xffff;
	v14 =	vpop (erf)  }
0xc4: {  	v10 =	vsub.f32 $0.0e+00, v10;
	v11 =	vmul.f32 v14, v11  }
0xc5: {  	v15 =	vld.idx.msk [tilespmem:v16+s12+$0x0], $0xffff  }
0xc6: {  	v10 =	vmul.f32 v14, v10;
	v11 =	vmul.f32 $1.442695020e+00, v11;
	_ =	sdelay $0x1  }
0xc7: {  	v10 =	vmul.f32 $1.442695020e+00, v10;
	(erf) = vpow2.f32 v11  }
0xc8: {  	v8 =	vsub.f32 v8, v12;
	v4 =	vsub.f32 v4, v13  }
0xc9: {  	(erf) = vpow2.f32 v10  }
0xca: {  	v8 =	vmul.f32 v8, v8;
	v9 =	vsub.f32 v9, v15;
	v4 =	vmul.f32 v4, v4  }
0xcb: {  	v6 =	vsub.f32 v6, v12;
	v5 =	vsub.f32 v5, v13  }
0xcc: {  	v4 =	vadd.f32 v8, v4;
	v8 =	vmul.f32 v9, v9  }
0xcd: {  	v6 =	vmul.f32 v6, v6;
	v5 =	vmul.f32 v5, v5;
	v9 =	vsub.f32 v7, v15;
	_ =	sdelay $0x1  }
0xce: {  	v5 =	vadd.f32 v6, v5;
	v9 =	vmul.f32 v9, v9;
	v4 =	vadd.f32 v8, v4  }
0xcf: {  	v7 =	vpop (erf)  }
0xd0: {  	v5 =	vadd.f32 v9, v5;
	v4 =	vmul.f32 v7, v4  }
0xd1: {  	v6 =	vpop (erf)  }
0xd2: {  	v5 =	vmul.f32 v6, v5;
	(xrf1) =	vsort.ascd.msk.f32 $0xffff, v4, v3;
	_ =	sdelay $0x1  }
0xd3: {  	(xrf1) =	vsort.ascd.msk.f32 $0xffff, v5, v2;
	_ =	sdelay $0xb  }
0xd4: {  	v2, v3, _ =	vpop (xrf1)  }
0xd5: {  	v2 =	vperm.xlane v2, v1  }
0xd6: {  	v3 =	vperm.xlane v3, v1;
	v4, v5, _ =	vpop (xrf1)  }
0xd7: {  	vm3 =	vle.f32 v4, v2  }
0xd8: {  	v2 =	vsel vm3, v4, v2;
	v3 =	vsel vm3, v5, v3  }
0xd9: {  	(xrf1) =	vsort.ascd.msk.f32 $0xffff, v2, v3;
	_ =	sdelay $0xd  }
0xda: {  	s20 =	sshra.s32 s16, $0x2;
	s16 =	smov.u32 s19;
	_, v2, _ =	vpop (xrf1)  }
0xdb: {  	s18 =	sadd.s32 $0x20, s18;
	[tilespmem:s20+$0x4000] =	vst v2  }
0xdc: {  	v3 =	vld [tilespmem:s18+$0x0]  }
0xdd: {  	v2 =	vld [tilespmem:s18+$0xFFFFFFF0];
	_ =	sdelay $0x2  }
.Ltmp0:
0xde: {  	(pc) =	sbr.rel @p0 .LBB2_2-.Ltmp0, $2  }
0xdf: {  	_ =	sdelay $0x2  }
0xe0: {  	s19 =	sadd.s32 $0x40, s19;
	v4 =	vld.idx.msk [tilespmem:v3+s1+$0x0], $0xffff  }
0xe1: {  	_ =	sdelay $0x3  }
0xe2: {  	v5 =	vld.idx.msk [tilespmem:v2+s1+$0x0], $0xffff  }
0xe3: {  	v6 =	vld.idx.msk [tilespmem:v3+s11+$0x0], $0xffff  }
0xe4: {  	v7 =	vld.idx.msk [tilespmem:v2+s11+$0x0], $0xffff  }
0xe5: {  	v8 =	vld.idx.msk [tilespmem:v3+s12+$0x0], $0xffff  }
0xe6: {  	v9 =	vld.idx.msk [tilespmem:v2+s12+$0x0], $0xffff;
	_ =	sdelay $0x1  }
0xe7: {  	v10 =	vadd.f32 v4, v5;
	_ =	sdelay $0x1  }
0xe8: {  	v41 =	vadd.f32 v6, v7;
	(xrf2) =	vadd.scan.msk.f32 $0xffff, v10  }
0xe9: {  	v11 =	vadd.f32 v8, v9  }
0xea: {  	(xrf2) =	vadd.scan.msk.f32 $0xffff, v41  }
0xeb: {  	(xrf2) =	vadd.scan.msk.f32 $0xffff, v11;
	_ =	sdelay $0x6  }
0xec: {  	v42, _, _ =	vpop (xrf2)  }
0xed: {  	v10 =	vmul.f32 $3.125000000e-02, v42  }
0xee: {  	v43, _, _ =	vpop (xrf2)  }
0xef: {  	v11 =	vmul.f32 $3.125000000e-02, v43;
	v12, _, _ =	vpop (xrf2);
	v10 =	vbroadcast v10, $0xF  }
0xf0: {  	v12 =	vmul.f32 $3.125000000e-02, v12  }
0xf1: {  	v11 =	vbroadcast v11, $0xF;
	v13 =	vsub.f32 v5, v10  }
0xf2: {  	v10 =	vsub.f32 v4, v10;
	v12 =	vbroadcast v12, $0xF  }
0xf3: {  	v14 =	vsub.f32 v7, v11;
	v11 =	vsub.f32 v6, v11;
	v13 =	vmul.f32 v13, v13  }
0xf4: {  	v10 =	vmul.f32 v10, v10;
	v15 =	vsub.f32 v9, v12;
	v12 =	vsub.f32 v8, v12  }
0xf5: {  	v14 =	vmul.f32 v14, v14;
	v11 =	vmul.f32 v11, v11  }
0xf6: {  	v16 =	vadd.f32 v10, v13;
	v15 =	vmul.f32 v15, v15;
	v12 =	vmul.f32 v12, v12  }
0xf7: {  	v17 =	vadd.f32 v11, v14  }
0xf8: {  	(xrf2) =	vadd.scan.msk.f32 $0xffff, v16;
	v44 =	vadd.f32 v12, v15  }
0xf9: {  	(xrf2) =	vadd.scan.msk.f32 $0xffff, v17  }
0xfa: {  	(xrf2) =	vadd.scan.msk.f32 $0xffff, v44;
	_ =	sdelay $0x7  }
0xfb: {  	v45, _, _ =	vpop (xrf2)  }
0xfc: {  	v17, _, _ =	vpop (xrf2)  }
0xfd: {  	v18, _, _ =	vpop (xrf2)  }
0xfe: {  	v17 =	vbroadcast v17, $0xF;
	v18 =	vbroadcast v18, $0xF  }
0xff: {  	v16 =	vbroadcast v45, $0xF  }
0x100: {  	v17 =	vsel vm0, v17, v18  }
0x101: {  	v16 =	vsel vm1, v17, v16  }
0x102: {  	v16 =	vmul.f32 $3.225806360e-02, v16;
	_ =	sdelay $0x1  }
0x103: {  	v46 =	vshra.s32 v16, $0x1  }
0x104: {  	v17 =	vadd.s32 $0x1FBD1DF5, v46  }
0x105: {  	(erf) = vrcp.f32 v17;
	_ =	sdelay $0x8  }
0x106: {  	v47 =	vpop (erf)  }
0x107: {  	v18 =	vmul.f32 v47, v16;
	_ =	sdelay $0x1  }
0x108: {  	v17 =	vadd.f32 v17, v18;
	_ =	sdelay $0x1  }
0x109: {  	v17 =	vmul.f32 $5.000000000e-01, v17;
	_ =	sdelay $0x1  }
0x10a: {  	(erf) = vrcp.f32 v17;
	_ =	sdelay $0x8  }
0x10b: {  	v48 =	vpop (erf)  }
0x10c: {  	v18 =	vmul.f32 v48, v16;
	_ =	sdelay $0x1  }
0x10d: {  	v17 =	vadd.f32 v18, v17;
	_ =	sdelay $0x1  }
0x10e: {  	v17 =	vmul.f32 $5.000000000e-01, v17;
	_ =	sdelay $0x1  }
0x10f: {  	(erf) = vrcp.f32 v17;
	_ =	sdelay $0x8  }
0x110: {  	v49 =	vpop (erf)  }
0x111: {  	v18 =	vmul.f32 v49, v16;
	_ =	sdelay $0x1  }
0x112: {  	v17 =	vadd.f32 v18, v17;
	_ =	sdelay $0x1  }
0x113: {  	v17 =	vmul.f32 $5.000000000e-01, v17;
	_ =	sdelay $0x1  }
0x114: {  	(erf) = vrcp.f32 v17;
	_ =	sdelay $0x8  }
0x115: {  	v50 =	vpop (erf)  }
0x116: {  	v16 =	vmul.f32 v50, v16;
	_ =	sdelay $0x1  }
0x117: {  	v16 =	vadd.f32 v16, v17;
	_ =	sdelay $0x1  }
0x118: {  	v16 =	vmul.f32 $5.000000000e-01, v16;
	_ =	sdelay $0x1  }
0x119: {  	v16 =	vadd.f32 $9.999999970e-07, v16;
	_ =	sdelay $0x1  }
0x11a: {  	v16 =	vnsel vm2, $0x0, v16  }
0x11b: {  	(xrf2) =	vadd.scan.msk.f32 $0xffff, v16;
	_ =	sdelay $0x9  }
0x11c: {  	v16, _, _ =	vpop (xrf2)  }
0x11d: {  	v16 =	vbroadcast v16, $0xF;
	_ =	sdelay $0x1  }
0x11e: {  	v16 =	vmul.f32 v16, v0;
	_ =	sdelay $0x1  }
0x11f: {  	(erf) = vrcp.f32 v16;
	_ =	sdelay $0x3  }
0x120: {  	s17 =	sadd.s32 $0x1, s17;
	v10 =	vadd.f32 v11, v10  }
0x121: {  	v51 =	vmov s17  }
0x122: {  	v52 =	vadd.f32 v14, v13;
	v10 =	vadd.f32 v12, v10;
	_ =	sdelay $0x1  }
0x123: {  	v11 =	vadd.f32 v15, v52;
	v10 =	vsub.f32 $0.0e+00, v10  }
0x124: {  	v54 =	vpop (erf)  }
0x125: {  	v55 =	vld.idx.msk [tilespmem:v51+s1+$0x0], $0xffff;
	v11 =	vsub.f32 $0.0e+00, v11;
	v10 =	vmul.f32 v54, v10  }
0x126: {  	v53 =	vld.idx.msk [tilespmem:v51+s11+$0x0], $0xffff  }
0x127: {  	v11 =	vmul.f32 v54, v11;
	v10 =	vmul.f32 $1.442695020e+00, v10  }
0x128: {  	v56 =	vld.idx.msk [tilespmem:v51+s12+$0x0], $0xffff  }
0x129: {  	v11 =	vmul.f32 $1.442695020e+00, v11;
	(erf) = vpow2.f32 v10  }
0x12a: {  	v57 =	vsub.f32 v4, v55  }
0x12b: {  	v6 =	vsub.f32 v6, v53;
	(erf) = vpow2.f32 v11  }
0x12c: {  	v4 =	vmul.f32 v57, v57;
	v5 =	vsub.f32 v5, v55  }
0x12d: {  	v7 =	vsub.f32 v7, v53;
	v8 =	vsub.f32 v8, v56;
	v6 =	vmul.f32 v6, v6  }
0x12e: {  	v59 =	vsub.f32 v9, v56;
	v5 =	vmul.f32 v5, v5  }
0x12f: {  	v7 =	vmul.f32 v7, v7;
	v58 =	vmul.f32 v8, v8;
	v4 =	vadd.f32 v6, v4;
	_ =	sdelay $0x1  }
0x130: {  	v60 =	vmul.f32 v59, v59;
	v5 =	vadd.f32 v7, v5;
	v4 =	vadd.f32 v58, v4  }
0x131: {  	v61 =	vpop (erf)  }
0x132: {  	v5 =	vadd.f32 v60, v5;
	v4 =	vmul.f32 v61, v4  }
0x133: {  	v62 =	vpop (erf)  }
0x134: {  	v5 =	vmul.f32 v62, v5;
	(xrf1) =	vsort.ascd.msk.f32 $0xffff, v4, v3;
	_ =	sdelay $0x1  }
0x135: {  	(xrf1) =	vsort.ascd.msk.f32 $0xffff, v5, v2;
	_ =	sdelay $0xb  }
0x136: {  	v2, v3, _ =	vpop (xrf1)  }
0x137: {  	v2 =	vperm.xlane v2, v1  }
0x138: {  	v3 =	vperm.xlane v3, v1;
	v63, v5, _ =	vpop (xrf1)  }
0x139: {  	vm3 =	vle.f32 v63, v2  }
0x13a: {  	v2 =	vsel vm3, v63, v2;
	v3 =	vsel vm3, v5, v3  }
0x13b: {  	(xrf1) =	vsort.ascd.msk.f32 $0xffff, v2, v3;
	_ =	sdelay $0xc  }
0x13c: {  	s15 =	sadd.s32 $0x1, s15  }
0x13d: {  	s16 =	sshra.s32 s16, $0x2;
	p0 =	sne.s32 s15, s8;
	_, v2, _ =	vpop (xrf1)  }
.Ltmp1:
0x13e: {  	[tilespmem:s16+$0x4000] =	vst v2;
	(pc) =	sbr.rel @p0 .LBB2_1-.Ltmp1, $4  }
0x13f: {  	[hbm4b:s7+s1] =	stream.linear.scatter [tilespmem:s14], [sflag:$0x1], $0x800, $0x38;
	[tilespmem:$0x4800] =	vst v63  }
0x140: {  	_ =	swait.ge [sflag:s10], $0x800  }
0x141: {  	[sflag:s10] =	ssyncset.done $0x0  }
0x142: {  	[sflag:s10] =	ssyncadd.s32 $0xFFFFF800  }
0x143: {  	_ =	sfence.sel $0x180000  }
0x144: {  	[bflag:$0x0] =	sbarrier.arrive $0xFFFF  }
0x145: {  	p0 =	sne.s32 s2, $0x0;
	_ =	strace $0x9000004A  }
0x146: {  	s0 =	sadd.s32 @!p0 $0x100000, s0;
	[bflag:$0x2] =	sbarrier.arrive $0xFFFF  }
0x147: {  	[sflag:s0] =	ssyncadd.tile.s32 @!p0 $0x1;
	_ =	shalt  }
.Lfunc_end2:
_tile_overlayer_lowered:
.L_overlay_start_2:
0x148: {  	(tag) =	ssettag $0x2  }
0x149: {  	s0 =	rddreg [dreg:$0x0];
	s2 =	stileid.u32  }
0x14a: {  	s1 =	rddreg [dreg:$0x1];
	p0 =	sne.s32 s2, $0x0  }
0x14b: {  	s3 =	rddreg [dreg:$0x2];
	[bflag:$0x3] =	sbarrier.arrive $0xFFFF;
	s2 =	simm.s32 @!p0 $0x1C01  }
0x14c: {  	[timem:s3], [sflag:s2] =	dma.local @!p0 [hbm:s0], s1  }
0x14d: {  	s0 =	simm.s32 @!p0 $0x1  }
0x14e: {  	_ =	swait.ge @!p0 [sflag:s0], s1  }
0x14f: {  	s1 =	ssub.s32 @!p0 $0x0, s1;
	[sflag:s0] =	ssyncset.done @!p0 $0x0  }
0x150: {  	[sflag:s0] =	ssyncadd.s32 @!p0 s1  }
0x151: {  	[bflag:$0x3] =	sbarrier.arrive $0xFFFF  }
0x152: {  	_ =	shalt  }

</sc_bundles>
